<compile_context>
chip_gen: v7x
topology: tpu7x:2x2x1
jax: 0.10.2.dev20260603
libtpu: 0.0.44.dev20260713+nightly
codegen_flags: <defaults>
</compile_context>

<pallas_src>
import jax
import jax.numpy as jnp
from jax import lax
from jax.experimental import pallas as pl
from jax.experimental.pallas import tpu as pltpu
from jax.experimental.pallas import tpu_sc as plsc

_NCLS = 6
_CH = 256
_QLEN = 50000
_TEMP = 0.2
_JQ = 2000
_NBLK = _QLEN // _JQ
_NW = 32
_PIXW = 1024


def _sc_route_kernel(pred_hbm, cls_hbm, cnt_hbm, pred_v, cls_v, cnt_v):
    cid = lax.axis_index("c")
    sid = lax.axis_index("s")
    wid = sid * 2 + cid
    base = wid * _PIXW
    b = base // 4096
    off = base % 4096
    pltpu.sync_copy(pred_hbm.at[b, :, pl.ds(off, _PIXW)], pred_v)

    def cls_body(gi, carry):
        p = [pred_v[c, pl.ds(gi * 16, 16)] for c in range(_NCLS)]
        best = p[0]
        bidx = jnp.zeros((16,), jnp.int32)
        for c in range(1, _NCLS):
            gt = p[c] > best
            best = jnp.where(gt, p[c], best)
            bidx = jnp.where(gt, c, bidx)
        cls_v[pl.ds(gi * 16, 16)] = bidx
        return tuple(carry[c] + jnp.where(bidx == c, 1.0, 0.0)
                     for c in range(_NCLS))

    cnts = lax.fori_loop(0, _PIXW // 16, cls_body,
                         tuple(jnp.zeros((16,), jnp.float32)
                               for _ in range(_NCLS)))
    for c in range(_NCLS):
        cnt_v[c, :] = cnts[c]
    pltpu.sync_copy(cls_v, cls_hbm.at[wid])
    pltpu.sync_copy(cnt_v, cnt_hbm.at[wid])


def _keys_kernel(fea_ref, cls_ref, cntp_ref, gM_ref, cnt_ref):
    b = pl.program_id(0)
    fea = fea_ref[0]
    row = cls_ref[pl.ds(b, 1), :]
    cls = jax.lax.broadcasted_iota(jnp.int32, (_NCLS, row.shape[1]), 0)
    masks = (cls == row).astype(jnp.float32)
    keys_part = jax.lax.dot_general(
        masks, fea, (((1,), (0,)), ((), ())),
        preferred_element_type=jnp.float32,
        precision=jax.lax.Precision.HIGHEST)

    @pl.when(b == 0)
    def _():
        gM_ref[...] = keys_part
        cs = jnp.zeros((_NCLS, 16), jnp.float32)
        for w in range(_NW):
            cs = cs + cntp_ref[w]
        cnt_ref[...] = jnp.sum(cs, axis=1, keepdims=True)

    @pl.when(b > 0)
    def _():
        gM_ref[...] = gM_ref[...] + keys_part

    @pl.when(b == pl.num_programs(0) - 1)
    def _():
        ksum = gM_ref[...]
        cnt = cnt_ref[...]
        mean = ksum / jnp.where(cnt > 0, cnt, 1.0)
        nrm = jnp.sqrt(jnp.sum(mean * mean, axis=1, keepdims=True))
        gM_ref[...] = mean / jnp.where(nrm > 0, nrm, 1.0) / _TEMP


def _loss_kernel(q_ref, gM_ref, cnt_ref, out_ref, acc_ref, fc_ref):
    k = pl.program_id(0)
    g = [gM_ref[c:c + 1, :] for c in range(_NCLS)]
    rows = 8
    gb = [jnp.tile(gc, (rows, 1)) for gc in g]

    def body(i, carry):
        base = i * rows
        q = [q_ref[c, pl.ds(base, rows), :] for c in range(_NCLS)]
        s = (q[0] + q[1]) + (q[2] + q[3]) + (q[4] + q[5])
        out = []
        for c in range(_NCLS):
            a1 = gb[c] * q[c]
            a2 = gb[c] * (s - q[c])
            out.append(carry[c] + jnp.exp(a1) + jnp.exp(a2))
        return tuple(out)

    init = tuple(jnp.zeros((rows, _CH), jnp.float32) for _ in range(_NCLS))
    accs = jax.lax.fori_loop(0, _JQ // rows, body, init, unroll=4)
    for c in range(_NCLS):
        red = jnp.sum(accs[c], axis=0, keepdims=True)

        @pl.when(k == 0)
        def _():
            acc_ref[c:c + 1, :] = red
            fc_ref[c:c + 1, :] = g[c] * q_ref[c, 0:1, :]

        @pl.when(k > 0)
        def _():
            acc_ref[c:c + 1, :] = acc_ref[c:c + 1, :] + red

    @pl.when(k == pl.num_programs(0) - 1)
    def _():
        vals = jnp.log(acc_ref[...]) - fc_ref[...]
        ce = jnp.sum(vals, axis=1, keepdims=True) / _CH
        w = jnp.where(cnt_ref[...] > 0, ce, 0.0)
        out_ref[...] = jnp.sum(w, axis=0, keepdims=True)


def kernel(fea, pred, queues):
    bs = fea.shape[0]
    hw = fea.shape[2] * fea.shape[3]
    fea_t = fea.transpose(0, 2, 3, 1).reshape(bs, hw, _CH)
    pred_r = pred.reshape(bs, _NCLS, hw)
    q_t = queues.transpose(0, 2, 1)

    mesh = plsc.VectorSubcoreMesh(core_axis_name="c", subcore_axis_name="s")
    sc_route = pl.kernel(
        _sc_route_kernel, mesh=mesh,
        out_type=[
            jax.ShapeDtypeStruct((_NW, _PIXW), jnp.int32),
            jax.ShapeDtypeStruct((_NW, _NCLS, 16), jnp.float32),
        ],
        scratch_types=[
            pltpu.VMEM((_NCLS, _PIXW), jnp.float32),
            pltpu.VMEM((_PIXW,), jnp.int32),
            pltpu.VMEM((_NCLS, 16), jnp.float32),
        ],
    )
    cls, cntp = sc_route(pred_r)
    cls_r = cls.reshape(bs, hw)

    gM, cnt = pl.pallas_call(
        _keys_kernel,
        grid=(bs,),
        in_specs=[
            pl.BlockSpec((1, hw, _CH), lambda b: (b, 0, 0)),
            pl.BlockSpec((bs, hw), lambda b: (0, 0)),
            pl.BlockSpec((_NW, _NCLS, 16), lambda b: (0, 0, 0)),
        ],
        out_specs=[
            pl.BlockSpec((_NCLS, _CH), lambda b: (0, 0)),
            pl.BlockSpec((_NCLS, 1), lambda b: (0, 0)),
        ],
        out_shape=[
            jax.ShapeDtypeStruct((_NCLS, _CH), jnp.float32),
            jax.ShapeDtypeStruct((_NCLS, 1), jnp.float32),
        ],
    )(fea_t, cls_r, cntp)

    loss = pl.pallas_call(
        _loss_kernel,
        grid=(_NBLK,),
        in_specs=[
            pl.BlockSpec((_NCLS, _JQ, _CH), lambda k: (0, k, 0)),
            pl.BlockSpec((_NCLS, _CH), lambda k: (0, 0)),
            pl.BlockSpec((_NCLS, 1), lambda k: (0, 0)),
        ],
        out_specs=pl.BlockSpec((1, 1), lambda k: (0, 0)),
        out_shape=jax.ShapeDtypeStruct((1, 1), jnp.float32),
        scratch_shapes=[
            pltpu.VMEM((_NCLS, _CH), jnp.float32),
            pltpu.VMEM((_NCLS, _CH), jnp.float32),
        ],
    )(q_t, gM, cnt)
    return loss[0, 0]

# --- scband reference (transcript-rebuilt; emitter-appended) ---
"""Pipeline reference for scband-region-contrast-90752658964656 (READ-ONLY COPY).

The authoritative reference and input builder live on the scoring server;
editing this copy changes nothing except your own understanding.
"""

import jax, jax.numpy as jnp
import numpy as np

NUM_CLASSES = 6
IN_PLANES = 256
QUEUE_LEN = 50000
TEMPERATURE = 0.2


def setup_inputs(seed: int = 0) -> dict:
    key = jax.random.key(seed)
    k1, k2, k3 = jax.random.split(key, 3)
    fea = jax.random.normal(k1, (8, IN_PLANES, 64, 64), dtype=jnp.float32)
    pred = jax.random.normal(k2, (8, NUM_CLASSES, 64, 64), dtype=jnp.float32)
    # class memory queues: registered buffers queue0..queue5, each [in_planes, queue_len],
    # normalized along dim=0 at init. Stacked here as queues[c].
    q = jax.random.normal(k3, (NUM_CLASSES, IN_PLANES, QUEUE_LEN), dtype=jnp.float32)
    q = q / jnp.linalg.norm(q, axis=1, keepdims=True)
    return {"fea": fea, "pred": pred, "queues": q}


def _construct_region(fea, pred):
    bs = fea.shape[0]
    pred_idx = jnp.argmax(pred, axis=1).reshape(bs, -1)          # [bs, HW]
    fea_r = fea.reshape(bs, IN_PLANES, -1).transpose(1, 0, 2)     # [C, bs, HW]
    keys_list = []
    present_list = []
    for c in range(NUM_CLASSES):
        mask = (pred_idx == c).astype(fea.dtype)                  # [bs, HW]
        denom = jnp.sum(mask)
        # mean of fea over masked positions, per channel == fea[:, mask].mean(1)
        class_fea = jnp.sum(fea_r * mask[None, :, :], axis=(1, 2)) / jnp.where(denom > 0, denom, 1.0)
        keys_list.append(class_fea)
        present_list.append(denom > 0)
    keys = jnp.stack(keys_list, axis=0)                           # [NUM_CLASSES, C]
    present = jnp.stack(present_list, axis=0)                     # [NUM_CLASSES]
    return keys, present


def reference(fea, pred, queues):
    keys, present = _construct_region(fea, pred)
    norms = jnp.linalg.norm(keys, axis=1, keepdims=True)
    keys = keys / jnp.where(norms > 0, norms, 1.0)                # normalize dim=1
    contrast_loss = jnp.asarray(0.0, dtype=jnp.float32)
    for cls_ind in range(NUM_CLASSES):
        query = keys[cls_ind]                                     # [C]
        q_pos = jax.lax.stop_gradient(queues[cls_ind])            # detached buffer
        l_pos = query[:, None] * q_pos                            # [C, queue_len]
        l_neg = jnp.zeros_like(l_pos)
        for cls_ind2 in range(NUM_CLASSES):
            if cls_ind2 == cls_ind:
                continue
            l_neg = l_neg + query[:, None] * jax.lax.stop_gradient(queues[cls_ind2])
        logits = jnp.concatenate([l_pos, l_neg], axis=1) / TEMPERATURE  # [C, 2*queue_len]
        # CrossEntropyLoss with labels all zero, mean reduction
        ce = jnp.mean(jax.nn.logsumexp(logits, axis=1) - logits[:, 0])
        contrast_loss = contrast_loss + jnp.where(present[cls_ind], ce, jnp.asarray(0.0, dtype=jnp.float32))
    # NOTE: the torch module also performs an in-place dequeue/enqueue buffer update
    # (side effect, not part of the returned value); only the loss is returned here.
    return contrast_loss

if __name__ == "__main__":
    import jax
    _d = setup_inputs()
    print(jax.jit(kernel)(*tuple(_d.values())))

</pallas_src>

<mosaic_0001>
#map = affine_map<(d0, d1) -> (0, 0, 0)>
#map1 = affine_map<(d0, d1) -> (0, 0)>
module attributes {stable_mosaic.version = 14 : i64} {
  func.func @_sc_route_kernel(%arg0: i32, %arg1: i32, %arg2: memref<8x6x4096xf32, #tpu.memory_space<hbm>>, %arg3: memref<32x1024xi32, #tpu.memory_space<hbm>>, %arg4: memref<32x6x16xf32, #tpu.memory_space<hbm>>, %arg5: memref<6x1024xf32, #tpu.memory_space<vmem>>, %arg6: memref<1024xi32, #tpu.memory_space<vmem>>, %arg7: memref<6x16xf32, #tpu.memory_space<vmem>>) attributes {dimension_semantics = [#tpu.dimension_semantics<core_parallel>, #tpu.dimension_semantics<subcore_parallel>], iteration_bounds = array<i64: 2, 16>, scalar_prefetch = 0 : i64, scratch_operands = 3 : i64, tpu.core_type = #tpu.core_type<sc_vector_subcore>, window_params = [{transform_indices = #map}, {transform_indices = #map1}, {transform_indices = #map}]} {
    %mul3A = arith.constant 2 : i32
    %mul3A_0 = arith.muli %arg1, %mul3A : i32
    %add3A = arith.addi %mul3A_0, %arg0 : i32
    %mul3A_1 = arith.constant 1024 : i32
    %mul3A_2 = arith.muli %add3A, %mul3A_1 : i32
    %jit3A = arith.constant 4096 : i32
    %div3A = arith.divsi %mul3A_2, %jit3A : i32
    %sign3A = arith.constant 0 : i32
    %sign3A_3 = arith.cmpi sgt, %mul3A_2, %sign3A : i32
    %sign3A_4 = arith.extui %sign3A_3 : i1 to i32
    %sign3A_5 = arith.constant 0 : i32
    %sign3A_6 = arith.cmpi slt, %mul3A_2, %sign3A_5 : i32
    %sign3A_7 = arith.extui %sign3A_6 : i1 to i32
    %sign3A_8 = arith.subi %sign3A_4, %sign3A_7 : i32
    %sign3A_9 = arith.constant 0 : i32
    %sign3A_10 = arith.cmpi sgt, %jit3A, %sign3A_9 : i32
    %sign3A_11 = arith.extui %sign3A_10 : i1 to i32
    %sign3A_12 = arith.constant 0 : i32
    %sign3A_13 = arith.cmpi slt, %jit3A, %sign3A_12 : i32
    %sign3A_14 = arith.extui %sign3A_13 : i1 to i32
    %sign3A_15 = arith.subi %sign3A_11, %sign3A_14 : i32
    %ne3A = arith.cmpi ne, %sign3A_8, %sign3A_15 : i32
    %rem3A = arith.remsi %mul3A_2, %jit3A : i32
    %ne3A_16 = arith.constant 0 : i32
    %ne3A_17 = arith.cmpi ne, %rem3A, %ne3A_16 : i32
    %and3A = arith.andi %ne3A, %ne3A_17 : i1
    %sub3A = arith.constant 1 : i32
    %sub3A_18 = arith.subi %div3A, %sub3A : i32
    %select_n3A = arith.select %and3A, %sub3A_18, %div3A : i32
    %jit3A_19 = arith.constant 4096 : i32
    %eq3A = arith.constant 0 : i32
    %eq3A_20 = arith.cmpi eq, %jit3A_19, %eq3A : i32
    %jit3A_21 = arith.constant 1 : i32
    %select_n3A_22 = arith.select %eq3A_20, %jit3A_21, %jit3A_19 : i32
    %rem3A_23 = arith.remsi %mul3A_2, %select_n3A_22 : i32
    %ne3A_24 = arith.constant 0 : i32
    %ne3A_25 = arith.cmpi ne, %rem3A_23, %ne3A_24 : i32
    %lt3A = arith.constant 0 : i32
    %lt3A_26 = arith.cmpi slt, %rem3A_23, %lt3A : i32
    %lt3A_27 = arith.constant 0 : i32
    %lt3A_28 = arith.cmpi slt, %select_n3A_22, %lt3A_27 : i32
    %ne3A_29 = arith.xori %lt3A_26, %lt3A_28 : i1
    %and3A_30 = arith.andi %ne3A_29, %ne3A_25 : i1
    %add3A_31 = arith.addi %rem3A_23, %select_n3A_22 : i32
    %select_n3A_32 = arith.select %and3A_30, %add3A_31, %rem3A_23 : i32
    "tpu.region"() ({
      %run_scoped3A = tpu.sem_alloc : memref<!tpu.dma_semaphore, #tpu.memory_space<semaphore_mem>>
      %dma_start3A = arith.constant 0 : i32
      %dma_start3A_84 = tpu.memref_slice %arg2[%select_n3A, %dma_start3A, %select_n3A_32] : memref<8x6x4096xf32, #tpu.memory_space<hbm>> -> memref<1x6x1024xf32, #tpu.memory_space<hbm>>
      %dma_start3A_85 = tpu.memref_squeeze %dma_start3A_84 : memref<1x6x1024xf32, #tpu.memory_space<hbm>> -> memref<6x1024xf32, #tpu.memory_space<hbm>>
      %dma_start3A_86 = arith.constant 0 : i32
      %dma_start3A_87 = tpu.memref_slice %arg2[%select_n3A, %dma_start3A_86, %select_n3A_32] : memref<8x6x4096xf32, #tpu.memory_space<hbm>> -> memref<1x6x1024xf32, #tpu.memory_space<hbm>>
      %dma_start3A_88 = tpu.memref_squeeze %dma_start3A_87 : memref<1x6x1024xf32, #tpu.memory_space<hbm>> -> memref<6x1024xf32, #tpu.memory_space<hbm>>
      tpu.enqueue_dma source(%dma_start3A_88 : memref<6x1024xf32, #tpu.memory_space<hbm>>) target(%arg5 : memref<6x1024xf32, #tpu.memory_space<vmem>>) target_semaphore(%run_scoped3A : memref<!tpu.dma_semaphore, #tpu.memory_space<semaphore_mem>>)
      %dma_wait3A = arith.constant 0 : i32
      %dma_wait3A_89 = tpu.memref_slice %arg2[%select_n3A, %dma_wait3A, %select_n3A_32] : memref<8x6x4096xf32, #tpu.memory_space<hbm>> -> memref<1x6x1024xf32, #tpu.memory_space<hbm>>
      %dma_wait3A_90 = tpu.memref_squeeze %dma_wait3A_89 : memref<1x6x1024xf32, #tpu.memory_space<hbm>> -> memref<6x1024xf32, #tpu.memory_space<hbm>>
      %dma_wait3A_91 = arith.constant 0 : i32
      %dma_wait3A_92 = tpu.memref_slice %arg2[%select_n3A, %dma_wait3A_91, %select_n3A_32] : memref<8x6x4096xf32, #tpu.memory_space<hbm>> -> memref<1x6x1024xf32, #tpu.memory_space<hbm>>
      %dma_wait3A_93 = tpu.memref_squeeze %dma_wait3A_92 : memref<1x6x1024xf32, #tpu.memory_space<hbm>> -> memref<6x1024xf32, #tpu.memory_space<hbm>>
      tpu.wait_dma2 semaphore(%run_scoped3A : memref<!tpu.dma_semaphore, #tpu.memory_space<semaphore_mem>>) src(%dma_wait3A_93 : memref<6x1024xf32, #tpu.memory_space<hbm>>) dst(%arg5 : memref<6x1024xf32, #tpu.memory_space<vmem>>)
      tpu.yield
    }) : () -> ()
    %broadcast_in_dim3A = arith.constant 0.000000e+00 : f32
    %broadcast_in_dim3A_33 = vector.broadcast %broadcast_in_dim3A : f32 to vector<16xf32>
    %broadcast_in_dim3A_34 = arith.constant 0.000000e+00 : f32
    %broadcast_in_dim3A_35 = vector.broadcast %broadcast_in_dim3A_34 : f32 to vector<16xf32>
    %broadcast_in_dim3A_36 = arith.constant 0.000000e+00 : f32
    %broadcast_in_dim3A_37 = vector.broadcast %broadcast_in_dim3A_36 : f32 to vector<16xf32>
    %broadcast_in_dim3A_38 = arith.constant 0.000000e+00 : f32
    %broadcast_in_dim3A_39 = vector.broadcast %broadcast_in_dim3A_38 : f32 to vector<16xf32>
    %broadcast_in_dim3A_40 = arith.constant 0.000000e+00 : f32
    %broadcast_in_dim3A_41 = vector.broadcast %broadcast_in_dim3A_40 : f32 to vector<16xf32>
    %broadcast_in_dim3A_42 = arith.constant 0.000000e+00 : f32
    %broadcast_in_dim3A_43 = vector.broadcast %broadcast_in_dim3A_42 : f32 to vector<16xf32>
    %scan3A = arith.constant 0 : i32
    %scan3A_44 = arith.constant 64 : i32
    %scan3A_45 = arith.addi %scan3A, %scan3A_44 : i32
    %scan3A_46 = arith.constant 1 : i32
    %scan3A_47:6 = scf.for %scan3A_84 = %scan3A to %scan3A_45 step %scan3A_46 iter_args(%scan3A_85 = %broadcast_in_dim3A_33, %scan3A_86 = %broadcast_in_dim3A_35, %scan3A_87 = %broadcast_in_dim3A_37, %scan3A_88 = %broadcast_in_dim3A_39, %scan3A_89 = %broadcast_in_dim3A_41, %scan3A_90 = %broadcast_in_dim3A_43) -> (vector<16xf32>, vector<16xf32>, vector<16xf32>, vector<16xf32>, vector<16xf32>, vector<16xf32>)  : i32 {
      %mul3A_91 = arith.constant 16 : i32
      %mul3A_92 = arith.muli %scan3A_84, %mul3A_91 : i32
      %get3A = arith.constant 0 : i32
      %get3A_93 = arith.index_cast %get3A : i32 to index
      %get3A_94 = arith.index_cast %mul3A_92 : i32 to index
      %get3A_95 = tpu.vector_load %arg5[%get3A_93, %get3A_94] {strides = array<i32>} : memref<6x1024xf32, #tpu.memory_space<vmem>>, vector<1x16xf32>,
      %get3A_96 = vector.shape_cast %get3A_95 : vector<1x16xf32> to vector<16xf32>
      %mul3A_97 = arith.constant 16 : i32
      %mul3A_98 = arith.muli %scan3A_84, %mul3A_97 : i32
      %get3A_99 = arith.constant 1 : i32
      %get3A_100 = arith.index_cast %get3A_99 : i32 to index
      %get3A_101 = arith.index_cast %mul3A_98 : i32 to index
      %get3A_102 = tpu.vector_load %arg5[%get3A_100, %get3A_101] {strides = array<i32>} : memref<6x1024xf32, #tpu.memory_space<vmem>>, vector<1x16xf32>,
      %get3A_103 = vector.shape_cast %get3A_102 : vector<1x16xf32> to vector<16xf32>
      %mul3A_104 = arith.constant 16 : i32
      %mul3A_105 = arith.muli %scan3A_84, %mul3A_104 : i32
      %get3A_106 = arith.constant 2 : i32
      %get3A_107 = arith.index_cast %get3A_106 : i32 to index
      %get3A_108 = arith.index_cast %mul3A_105 : i32 to index
      %get3A_109 = tpu.vector_load %arg5[%get3A_107, %get3A_108] {strides = array<i32>} : memref<6x1024xf32, #tpu.memory_space<vmem>>, vector<1x16xf32>,
      %get3A_110 = vector.shape_cast %get3A_109 : vector<1x16xf32> to vector<16xf32>
      %mul3A_111 = arith.constant 16 : i32
      %mul3A_112 = arith.muli %scan3A_84, %mul3A_111 : i32
      %get3A_113 = arith.constant 3 : i32
      %get3A_114 = arith.index_cast %get3A_113 : i32 to index
      %get3A_115 = arith.index_cast %mul3A_112 : i32 to index
      %get3A_116 = tpu.vector_load %arg5[%get3A_114, %get3A_115] {strides = array<i32>} : memref<6x1024xf32, #tpu.memory_space<vmem>>, vector<1x16xf32>,
      %get3A_117 = vector.shape_cast %get3A_116 : vector<1x16xf32> to vector<16xf32>
      %mul3A_118 = arith.constant 16 : i32
      %mul3A_119 = arith.muli %scan3A_84, %mul3A_118 : i32
      %get3A_120 = arith.constant 4 : i32
      %get3A_121 = arith.index_cast %get3A_120 : i32 to index
      %get3A_122 = arith.index_cast %mul3A_119 : i32 to index
      %get3A_123 = tpu.vector_load %arg5[%get3A_121, %get3A_122] {strides = array<i32>} : memref<6x1024xf32, #tpu.memory_space<vmem>>, vector<1x16xf32>,
      %get3A_124 = vector.shape_cast %get3A_123 : vector<1x16xf32> to vector<16xf32>
      %mul3A_125 = arith.constant 16 : i32
      %mul3A_126 = arith.muli %scan3A_84, %mul3A_125 : i32
      %get3A_127 = arith.constant 5 : i32
      %get3A_128 = arith.index_cast %get3A_127 : i32 to index
      %get3A_129 = arith.index_cast %mul3A_126 : i32 to index
      %get3A_130 = tpu.vector_load %arg5[%get3A_128, %get3A_129] {strides = array<i32>} : memref<6x1024xf32, #tpu.memory_space<vmem>>, vector<1x16xf32>,
      %get3A_131 = vector.shape_cast %get3A_130 : vector<1x16xf32> to vector<16xf32>
      %broadcast_in_dim3A_132 = arith.constant 0 : i32
      %broadcast_in_dim3A_133 = vector.broadcast %broadcast_in_dim3A_132 : i32 to vector<16xi32>
      %gt3A = arith.cmpf ogt, %get3A_103, %get3A_96 : vector<16xf32>
      %select_n3A_134 = arith.select %gt3A, %get3A_103, %get3A_96 : vector<16xi1>, vector<16xf32>
      %jit3A_135 = arith.constant 1 : i32
      %broadcast_in_dim3A_136 = vector.broadcast %jit3A_135 : i32 to vector<16xi32>
      %select_n3A_137 = arith.select %gt3A, %broadcast_in_dim3A_136, %broadcast_in_dim3A_133 : vector<16xi1>, vector<16xi32>
      %gt3A_138 = arith.cmpf ogt, %get3A_110, %select_n3A_134 : vector<16xf32>
      %select_n3A_139 = arith.select %gt3A_138, %get3A_110, %select_n3A_134 : vector<16xi1>, vector<16xf32>
      %jit3A_140 = arith.constant 2 : i32
      %broadcast_in_dim3A_141 = vector.broadcast %jit3A_140 : i32 to vector<16xi32>
      %select_n3A_142 = arith.select %gt3A_138, %broadcast_in_dim3A_141, %select_n3A_137 : vector<16xi1>, vector<16xi32>
      %gt3A_143 = arith.cmpf ogt, %get3A_117, %select_n3A_139 : vector<16xf32>
      %select_n3A_144 = arith.select %gt3A_143, %get3A_117, %select_n3A_139 : vector<16xi1>, vector<16xf32>
      %jit3A_145 = arith.constant 3 : i32
      %broadcast_in_dim3A_146 = vector.broadcast %jit3A_145 : i32 to vector<16xi32>
      %select_n3A_147 = arith.select %gt3A_143, %broadcast_in_dim3A_146, %select_n3A_142 : vector<16xi1>, vector<16xi32>
      %gt3A_148 = arith.cmpf ogt, %get3A_124, %select_n3A_144 : vector<16xf32>
      %select_n3A_149 = arith.select %gt3A_148, %get3A_124, %select_n3A_144 : vector<16xi1>, vector<16xf32>
      %jit3A_150 = arith.constant 4 : i32
      %broadcast_in_dim3A_151 = vector.broadcast %jit3A_150 : i32 to vector<16xi32>
      %select_n3A_152 = arith.select %gt3A_148, %broadcast_in_dim3A_151, %select_n3A_147 : vector<16xi1>, vector<16xi32>
      %gt3A_153 = arith.cmpf ogt, %get3A_131, %select_n3A_149 : vector<16xf32>
      %select_n3A_154 = arith.select %gt3A_153, %get3A_131, %select_n3A_149 : vector<16xi1>, vector<16xf32>
      %jit3A_155 = arith.constant 5 : i32
      %broadcast_in_dim3A_156 = vector.broadcast %jit3A_155 : i32 to vector<16xi32>
      %select_n3A_157 = arith.select %gt3A_153, %broadcast_in_dim3A_156, %select_n3A_152 : vector<16xi1>, vector<16xi32>
      %mul3A_158 = arith.constant 16 : i32
      %mul3A_159 = arith.muli %scan3A_84, %mul3A_158 : i32
      %swap3A_160 = arith.index_cast %mul3A_159 : i32 to index
      %swap3A_161 = tpu.vector_load %arg6[%swap3A_160] {strides = array<i32>} : memref<1024xi32, #tpu.memory_space<vmem>>, vector<16xi32>,
      %swap3A_162 = vector.shape_cast %swap3A_161 : vector<16xi32> to vector<16xi32>
      %swap3A_163 = vector.shape_cast %select_n3A_157 : vector<16xi32> to vector<16xi32>
      tpu.vector_store %arg6[%swap3A_160], %swap3A_163 {strides = array<i32>} : memref<1024xi32, #tpu.memory_space<vmem>>, vector<16xi32>,
      %eq3A_164 = arith.constant 0 : i32
      %eq3A_165 = vector.broadcast %eq3A_164 : i32 to vector<16xi32>
      %eq3A_166 = arith.cmpi eq, %select_n3A_157, %eq3A_165 : vector<16xi32>
      %jit3A_167 = arith.constant 1.000000e+00 : f32
      %jit3A_168 = arith.constant 0.000000e+00 : f32
      %broadcast_in_dim3A_169 = vector.broadcast %jit3A_167 : f32 to vector<16xf32>
      %broadcast_in_dim3A_170 = vector.broadcast %jit3A_168 : f32 to vector<16xf32>
      %select_n3A_171 = arith.select %eq3A_166, %broadcast_in_dim3A_169, %broadcast_in_dim3A_170 : vector<16xi1>, vector<16xf32>
      %add3A_172 = arith.addf %scan3A_85, %select_n3A_171 : vector<16xf32>
      %eq3A_173 = arith.constant 1 : i32
      %eq3A_174 = vector.broadcast %eq3A_173 : i32 to vector<16xi32>
      %eq3A_175 = arith.cmpi eq, %select_n3A_157, %eq3A_174 : vector<16xi32>
      %jit3A_176 = arith.constant 1.000000e+00 : f32
      %jit3A_177 = arith.constant 0.000000e+00 : f32
      %broadcast_in_dim3A_178 = vector.broadcast %jit3A_176 : f32 to vector<16xf32>
      %broadcast_in_dim3A_179 = vector.broadcast %jit3A_177 : f32 to vector<16xf32>
      %select_n3A_180 = arith.select %eq3A_175, %broadcast_in_dim3A_178, %broadcast_in_dim3A_179 : vector<16xi1>, vector<16xf32>
      %add3A_181 = arith.addf %scan3A_86, %select_n3A_180 : vector<16xf32>
      %eq3A_182 = arith.constant 2 : i32
      %eq3A_183 = vector.broadcast %eq3A_182 : i32 to vector<16xi32>
      %eq3A_184 = arith.cmpi eq, %select_n3A_157, %eq3A_183 : vector<16xi32>
      %jit3A_185 = arith.constant 1.000000e+00 : f32
      %jit3A_186 = arith.constant 0.000000e+00 : f32
      %broadcast_in_dim3A_187 = vector.broadcast %jit3A_185 : f32 to vector<16xf32>
      %broadcast_in_dim3A_188 = vector.broadcast %jit3A_186 : f32 to vector<16xf32>
      %select_n3A_189 = arith.select %eq3A_184, %broadcast_in_dim3A_187, %broadcast_in_dim3A_188 : vector<16xi1>, vector<16xf32>
      %add3A_190 = arith.addf %scan3A_87, %select_n3A_189 : vector<16xf32>
      %eq3A_191 = arith.constant 3 : i32
      %eq3A_192 = vector.broadcast %eq3A_191 : i32 to vector<16xi32>
      %eq3A_193 = arith.cmpi eq, %select_n3A_157, %eq3A_192 : vector<16xi32>
      %jit3A_194 = arith.constant 1.000000e+00 : f32
      %jit3A_195 = arith.constant 0.000000e+00 : f32
      %broadcast_in_dim3A_196 = vector.broadcast %jit3A_194 : f32 to vector<16xf32>
      %broadcast_in_dim3A_197 = vector.broadcast %jit3A_195 : f32 to vector<16xf32>
      %select_n3A_198 = arith.select %eq3A_193, %broadcast_in_dim3A_196, %broadcast_in_dim3A_197 : vector<16xi1>, vector<16xf32>
      %add3A_199 = arith.addf %scan3A_88, %select_n3A_198 : vector<16xf32>
      %eq3A_200 = arith.constant 4 : i32
      %eq3A_201 = vector.broadcast %eq3A_200 : i32 to vector<16xi32>
      %eq3A_202 = arith.cmpi eq, %select_n3A_157, %eq3A_201 : vector<16xi32>
      %jit3A_203 = arith.constant 1.000000e+00 : f32
      %jit3A_204 = arith.constant 0.000000e+00 : f32
      %broadcast_in_dim3A_205 = vector.broadcast %jit3A_203 : f32 to vector<16xf32>
      %broadcast_in_dim3A_206 = vector.broadcast %jit3A_204 : f32 to vector<16xf32>
      %select_n3A_207 = arith.select %eq3A_202, %broadcast_in_dim3A_205, %broadcast_in_dim3A_206 : vector<16xi1>, vector<16xf32>
      %add3A_208 = arith.addf %scan3A_89, %select_n3A_207 : vector<16xf32>
      %eq3A_209 = arith.constant 5 : i32
      %eq3A_210 = vector.broadcast %eq3A_209 : i32 to vector<16xi32>
      %eq3A_211 = arith.cmpi eq, %select_n3A_157, %eq3A_210 : vector<16xi32>
      %jit3A_212 = arith.constant 1.000000e+00 : f32
      %jit3A_213 = arith.constant 0.000000e+00 : f32
      %broadcast_in_dim3A_214 = vector.broadcast %jit3A_212 : f32 to vector<16xf32>
      %broadcast_in_dim3A_215 = vector.broadcast %jit3A_213 : f32 to vector<16xf32>
      %select_n3A_216 = arith.select %eq3A_211, %broadcast_in_dim3A_214, %broadcast_in_dim3A_215 : vector<16xi1>, vector<16xf32>
      %add3A_217 = arith.addf %scan3A_90, %select_n3A_216 : vector<16xf32>
      scf.yield %add3A_172, %add3A_181, %add3A_190, %add3A_199, %add3A_208, %add3A_217 : vector<16xf32>, vector<16xf32>, vector<16xf32>, vector<16xf32>, vector<16xf32>, vector<16xf32>
    }
    %scan3A_48 = arith.constant 64 : i32
    %swap3A = arith.constant 0 : i32
    %swap3A_49 = arith.index_cast %swap3A : i32 to index
    %swap3A_50 = arith.constant 0 : index
    %swap3A_51 = tpu.vector_load %arg7[%swap3A_49, %swap3A_50] {strides = array<i32>} : memref<6x16xf32, #tpu.memory_space<vmem>>, vector<1x16xf32>,
    %swap3A_52 = vector.shape_cast %swap3A_51 : vector<1x16xf32> to vector<16xf32>
    %swap3A_53 = vector.shape_cast %scan3A_47#0 : vector<16xf32> to vector<1x16xf32>
    tpu.vector_store %arg7[%swap3A_49, %swap3A_50], %swap3A_53 {strides = array<i32>} : memref<6x16xf32, #tpu.memory_space<vmem>>, vector<1x16xf32>,
    %swap3A_54 = arith.constant 1 : i32
    %swap3A_55 = arith.index_cast %swap3A_54 : i32 to index
    %swap3A_56 = arith.constant 0 : index
    %swap3A_57 = tpu.vector_load %arg7[%swap3A_55, %swap3A_56] {strides = array<i32>} : memref<6x16xf32, #tpu.memory_space<vmem>>, vector<1x16xf32>,
    %swap3A_58 = vector.shape_cast %swap3A_57 : vector<1x16xf32> to vector<16xf32>
    %swap3A_59 = vector.shape_cast %scan3A_47#1 : vector<16xf32> to vector<1x16xf32>
    tpu.vector_store %arg7[%swap3A_55, %swap3A_56], %swap3A_59 {strides = array<i32>} : memref<6x16xf32, #tpu.memory_space<vmem>>, vector<1x16xf32>,
    %swap3A_60 = arith.constant 2 : i32
    %swap3A_61 = arith.index_cast %swap3A_60 : i32 to index
    %swap3A_62 = arith.constant 0 : index
    %swap3A_63 = tpu.vector_load %arg7[%swap3A_61, %swap3A_62] {strides = array<i32>} : memref<6x16xf32, #tpu.memory_space<vmem>>, vector<1x16xf32>,
    %swap3A_64 = vector.shape_cast %swap3A_63 : vector<1x16xf32> to vector<16xf32>
    %swap3A_65 = vector.shape_cast %scan3A_47#2 : vector<16xf32> to vector<1x16xf32>
    tpu.vector_store %arg7[%swap3A_61, %swap3A_62], %swap3A_65 {strides = array<i32>} : memref<6x16xf32, #tpu.memory_space<vmem>>, vector<1x16xf32>,
    %swap3A_66 = arith.constant 3 : i32
    %swap3A_67 = arith.index_cast %swap3A_66 : i32 to index
    %swap3A_68 = arith.constant 0 : index
    %swap3A_69 = tpu.vector_load %arg7[%swap3A_67, %swap3A_68] {strides = array<i32>} : memref<6x16xf32, #tpu.memory_space<vmem>>, vector<1x16xf32>,
    %swap3A_70 = vector.shape_cast %swap3A_69 : vector<1x16xf32> to vector<16xf32>
    %swap3A_71 = vector.shape_cast %scan3A_47#3 : vector<16xf32> to vector<1x16xf32>
    tpu.vector_store %arg7[%swap3A_67, %swap3A_68], %swap3A_71 {strides = array<i32>} : memref<6x16xf32, #tpu.memory_space<vmem>>, vector<1x16xf32>,
    %swap3A_72 = arith.constant 4 : i32
    %swap3A_73 = arith.index_cast %swap3A_72 : i32 to index
    %swap3A_74 = arith.constant 0 : index
    %swap3A_75 = tpu.vector_load %arg7[%swap3A_73, %swap3A_74] {strides = array<i32>} : memref<6x16xf32, #tpu.memory_space<vmem>>, vector<1x16xf32>,
    %swap3A_76 = vector.shape_cast %swap3A_75 : vector<1x16xf32> to vector<16xf32>
    %swap3A_77 = vector.shape_cast %scan3A_47#4 : vector<16xf32> to vector<1x16xf32>
    tpu.vector_store %arg7[%swap3A_73, %swap3A_74], %swap3A_77 {strides = array<i32>} : memref<6x16xf32, #tpu.memory_space<vmem>>, vector<1x16xf32>,
    %swap3A_78 = arith.constant 5 : i32
    %swap3A_79 = arith.index_cast %swap3A_78 : i32 to index
    %swap3A_80 = arith.constant 0 : index
    %swap3A_81 = tpu.vector_load %arg7[%swap3A_79, %swap3A_80] {strides = array<i32>} : memref<6x16xf32, #tpu.memory_space<vmem>>, vector<1x16xf32>,
    %swap3A_82 = vector.shape_cast %swap3A_81 : vector<1x16xf32> to vector<16xf32>
    %swap3A_83 = vector.shape_cast %scan3A_47#5 : vector<16xf32> to vector<1x16xf32>
    tpu.vector_store %arg7[%swap3A_79, %swap3A_80], %swap3A_83 {strides = array<i32>} : memref<6x16xf32, #tpu.memory_space<vmem>>, vector<1x16xf32>,
    "tpu.region"() ({
      %run_scoped3A = tpu.sem_alloc : memref<!tpu.dma_semaphore, #tpu.memory_space<semaphore_mem>>
      %dma_start3A = arith.constant 0 : i32
      %dma_start3A_84 = tpu.memref_slice %arg3[%add3A, %dma_start3A] : memref<32x1024xi32, #tpu.memory_space<hbm>> -> memref<1x1024xi32, #tpu.memory_space<hbm>>
      %dma_start3A_85 = tpu.memref_squeeze %dma_start3A_84 : memref<1x1024xi32, #tpu.memory_space<hbm>> -> memref<1024xi32, #tpu.memory_space<hbm>>
      %dma_start3A_86 = arith.constant 0 : i32
      %dma_start3A_87 = tpu.memref_slice %arg3[%add3A, %dma_start3A_86] : memref<32x1024xi32, #tpu.memory_space<hbm>> -> memref<1x1024xi32, #tpu.memory_space<hbm>>
      %dma_start3A_88 = tpu.memref_squeeze %dma_start3A_87 : memref<1x1024xi32, #tpu.memory_space<hbm>> -> memref<1024xi32, #tpu.memory_space<hbm>>
      tpu.enqueue_dma source(%arg6 : memref<1024xi32, #tpu.memory_space<vmem>>) target(%dma_start3A_88 : memref<1024xi32, #tpu.memory_space<hbm>>) target_semaphore(%run_scoped3A : memref<!tpu.dma_semaphore, #tpu.memory_space<semaphore_mem>>)
      %dma_wait3A = arith.constant 0 : i32
      %dma_wait3A_89 = tpu.memref_slice %arg3[%add3A, %dma_wait3A] : memref<32x1024xi32, #tpu.memory_space<hbm>> -> memref<1x1024xi32, #tpu.memory_space<hbm>>
      %dma_wait3A_90 = tpu.memref_squeeze %dma_wait3A_89 : memref<1x1024xi32, #tpu.memory_space<hbm>> -> memref<1024xi32, #tpu.memory_space<hbm>>
      %dma_wait3A_91 = arith.constant 0 : i32
      %dma_wait3A_92 = tpu.memref_slice %arg3[%add3A, %dma_wait3A_91] : memref<32x1024xi32, #tpu.memory_space<hbm>> -> memref<1x1024xi32, #tpu.memory_space<hbm>>
      %dma_wait3A_93 = tpu.memref_squeeze %dma_wait3A_92 : memref<1x1024xi32, #tpu.memory_space<hbm>> -> memref<1024xi32, #tpu.memory_space<hbm>>
      tpu.wait_dma2 semaphore(%run_scoped3A : memref<!tpu.dma_semaphore, #tpu.memory_space<semaphore_mem>>) src(%arg6 : memref<1024xi32, #tpu.memory_space<vmem>>) dst(%dma_wait3A_93 : memref<1024xi32, #tpu.memory_space<hbm>>)
      tpu.yield
    }) : () -> ()
    "tpu.region"() ({
      %run_scoped3A = tpu.sem_alloc : memref<!tpu.dma_semaphore, #tpu.memory_space<semaphore_mem>>
      %dma_start3A = arith.constant 0 : i32
      %dma_start3A_84 = arith.constant 0 : i32
      %dma_start3A_85 = tpu.memref_slice %arg4[%add3A, %dma_start3A, %dma_start3A_84] : memref<32x6x16xf32, #tpu.memory_space<hbm>> -> memref<1x6x16xf32, #tpu.memory_space<hbm>>
      %dma_start3A_86 = tpu.memref_squeeze %dma_start3A_85 : memref<1x6x16xf32, #tpu.memory_space<hbm>> -> memref<6x16xf32, #tpu.memory_space<hbm>>
      %dma_start3A_87 = arith.constant 0 : i32
      %dma_start3A_88 = arith.constant 0 : i32
      %dma_start3A_89 = tpu.memref_slice %arg4[%add3A, %dma_start3A_87, %dma_start3A_88] : memref<32x6x16xf32, #tpu.memory_space<hbm>> -> memref<1x6x16xf32, #tpu.memory_space<hbm>>
      %dma_start3A_90 = tpu.memref_squeeze %dma_start3A_89 : memref<1x6x16xf32, #tpu.memory_space<hbm>> -> memref<6x16xf32, #tpu.memory_space<hbm>>
      tpu.enqueue_dma source(%arg7 : memref<6x16xf32, #tpu.memory_space<vmem>>) target(%dma_start3A_90 : memref<6x16xf32, #tpu.memory_space<hbm>>) target_semaphore(%run_scoped3A : memref<!tpu.dma_semaphore, #tpu.memory_space<semaphore_mem>>)
      %dma_wait3A = arith.constant 0 : i32
      %dma_wait3A_91 = arith.constant 0 : i32
      %dma_wait3A_92 = tpu.memref_slice %arg4[%add3A, %dma_wait3A, %dma_wait3A_91] : memref<32x6x16xf32, #tpu.memory_space<hbm>> -> memref<1x6x16xf32, #tpu.memory_space<hbm>>
      %dma_wait3A_93 = tpu.memref_squeeze %dma_wait3A_92 : memref<1x6x16xf32, #tpu.memory_space<hbm>> -> memref<6x16xf32, #tpu.memory_space<hbm>>
      %dma_wait3A_94 = arith.constant 0 : i32
      %dma_wait3A_95 = arith.constant 0 : i32
      %dma_wait3A_96 = tpu.memref_slice %arg4[%add3A, %dma_wait3A_94, %dma_wait3A_95] : memref<32x6x16xf32, #tpu.memory_space<hbm>> -> memref<1x6x16xf32, #tpu.memory_space<hbm>>
      %dma_wait3A_97 = tpu.memref_squeeze %dma_wait3A_96 : memref<1x6x16xf32, #tpu.memory_space<hbm>> -> memref<6x16xf32, #tpu.memory_space<hbm>>
      tpu.wait_dma2 semaphore(%run_scoped3A : memref<!tpu.dma_semaphore, #tpu.memory_space<semaphore_mem>>) src(%arg7 : memref<6x16xf32, #tpu.memory_space<vmem>>) dst(%dma_wait3A_97 : memref<6x16xf32, #tpu.memory_space<hbm>>)
      tpu.yield
    }) : () -> ()
    return
  }
}

module attributes {stable_mosaic.version = 14 : i64} {
  func.func @_keys_kernel(%arg0: i32, %arg1: memref<1x4096x256xf32, #tpu.memory_space<vmem>>, %arg2: memref<8x4096xi32, #tpu.memory_space<vmem>>, %arg3: memref<32x6x16xf32, #tpu.memory_space<vmem>>, %arg4: memref<6x256xf32, #tpu.memory_space<vmem>>, %arg5: memref<6x1xf32, #tpu.memory_space<vmem>>) attributes {dimension_semantics = [#tpu.dimension_semantics<arbitrary>], iteration_bounds = array<i64: 8>, scalar_prefetch = 0 : i64, scratch_operands = 0 : i64, tpu.core_type = #tpu.core_type<tc>, window_params = [{transform_indices = @transform_0, window_bounds = array<i64: 1, 4096, 256>}, {pipeline_mode = #tpu.pipeline_mode<synchronous>, transform_indices = @transform_1, window_bounds = array<i64: 8, 4096>}, {pipeline_mode = #tpu.pipeline_mode<synchronous>, transform_indices = @transform_2, window_bounds = array<i64: 32, 6, 16>}, {pipeline_mode = #tpu.pipeline_mode<synchronous>, transform_indices = @transform_3, window_bounds = array<i64: 6, 256>}, {pipeline_mode = #tpu.pipeline_mode<synchronous>, transform_indices = @transform_4, window_bounds = array<i64: 6, 1>}]} {
    %get3A = arith.constant 0 : index
    %get3A_0 = arith.constant 0 : index
    %get3A_1 = arith.constant 0 : index
    %get3A_2 = vector.load %arg1[%get3A, %get3A_0, %get3A_1] : memref<1x4096x256xf32, #tpu.memory_space<vmem>>, vector<1x4096x256xf32>
    %get3A_3 = vector.shape_cast %get3A_2 : vector<1x4096x256xf32> to vector<4096x256xf32>
    %get3A_4 = arith.index_cast %arg0 : i32 to index
    %get3A_5 = arith.constant 0 : index
    %get3A_6 = vector.load %arg2[%get3A_4, %get3A_5] : memref<8x4096xi32, #tpu.memory_space<vmem>>, vector<1x4096xi32>
    %iota3A = tpu.iota {dimensions = array<i32: 0>} : vector<6x4096xi32>
    %eq3A = vector.broadcast %get3A_6 : vector<1x4096xi32> to vector<6x4096xi32>
    %eq3A_7 = arith.cmpi eq, %iota3A, %eq3A : vector<6x4096xi32>
    %convert_element_type3A = arith.extui %eq3A_7 : vector<6x4096xi1> to vector<6x4096xi32>
    %convert_element_type3A_8 = arith.sitofp %convert_element_type3A : vector<6x4096xi32> to vector<6x4096xf32>
    %dot_general3A = arith.constant dense<0.000000e+00> : vector<6x256xf32>
    %dot_general3A_9 = tpu.matmul %convert_element_type3A_8, %get3A_3, %dot_general3A {dimension_numbers = #tpu.dot_dimension_numbers<[1], [0], [0], [1], [0, 0, 1, 1], [], []>, precision = #tpu.contract_precision<fp32>, transpose_lhs_hint = false} : vector<6x4096xf32>, vector<4096x256xf32>, vector<6x256xf32> -> vector<6x256xf32>
    %eq3A_10 = arith.constant 0 : i32
    %eq3A_11 = arith.cmpi eq, %arg0, %eq3A_10 : i32
    %convert_element_type3A_12 = arith.extui %eq3A_11 : i1 to i32
    %cond3A = arith.constant 0 : i32
    %cond3A_13 = arith.cmpi ne, %convert_element_type3A_12, %cond3A : i32
    scf.if %cond3A_13 {
      %swap3A = arith.constant 0 : index
      %swap3A_23 = arith.constant 0 : index
      %swap3A_24 = vector.load %arg4[%swap3A, %swap3A_23] : memref<6x256xf32, #tpu.memory_space<vmem>>, vector<6x256xf32>
      tpu.vector_store %arg4[%swap3A, %swap3A_23], %dot_general3A_9 {strides = array<i32>} : memref<6x256xf32, #tpu.memory_space<vmem>>, vector<6x256xf32>,
      %broadcast_in_dim3A = arith.constant 0.000000e+00 : f32
      %broadcast_in_dim3A_25 = vector.broadcast %broadcast_in_dim3A : f32 to vector<6x16xf32>
      %get3A_26 = arith.constant 0 : index
      %get3A_27 = arith.constant 0 : index
      %get3A_28 = arith.constant 0 : index
      %get3A_29 = vector.load %arg3[%get3A_26, %get3A_27, %get3A_28] : memref<32x6x16xf32, #tpu.memory_space<vmem>>, vector<1x6x16xf32>
      %get3A_30 = vector.shape_cast %get3A_29 : vector<1x6x16xf32> to vector<6x16xf32>
      %add3A = arith.addf %broadcast_in_dim3A_25, %get3A_30 : vector<6x16xf32>
      %get3A_31 = arith.constant 1 : index
      %get3A_32 = arith.constant 0 : index
      %get3A_33 = arith.constant 0 : index
      %get3A_34 = vector.load %arg3[%get3A_31, %get3A_32, %get3A_33] : memref<32x6x16xf32, #tpu.memory_space<vmem>>, vector<1x6x16xf32>
      %get3A_35 = vector.shape_cast %get3A_34 : vector<1x6x16xf32> to vector<6x16xf32>
      %add3A_36 = arith.addf %add3A, %get3A_35 : vector<6x16xf32>
      %get3A_37 = arith.constant 2 : index
      %get3A_38 = arith.constant 0 : index
      %get3A_39 = arith.constant 0 : index
      %get3A_40 = vector.load %arg3[%get3A_37, %get3A_38, %get3A_39] : memref<32x6x16xf32, #tpu.memory_space<vmem>>, vector<1x6x16xf32>
      %get3A_41 = vector.shape_cast %get3A_40 : vector<1x6x16xf32> to vector<6x16xf32>
      %add3A_42 = arith.addf %add3A_36, %get3A_41 : vector<6x16xf32>
      %get3A_43 = arith.constant 3 : index
      %get3A_44 = arith.constant 0 : index
      %get3A_45 = arith.constant 0 : index
      %get3A_46 = vector.load %arg3[%get3A_43, %get3A_44, %get3A_45] : memref<32x6x16xf32, #tpu.memory_space<vmem>>, vector<1x6x16xf32>
      %get3A_47 = vector.shape_cast %get3A_46 : vector<1x6x16xf32> to vector<6x16xf32>
      %add3A_48 = arith.addf %add3A_42, %get3A_47 : vector<6x16xf32>
      %get3A_49 = arith.constant 4 : index
      %get3A_50 = arith.constant 0 : index
      %get3A_51 = arith.constant 0 : index
      %get3A_52 = vector.load %arg3[%get3A_49, %get3A_50, %get3A_51] : memref<32x6x16xf32, #tpu.memory_space<vmem>>, vector<1x6x16xf32>
      %get3A_53 = vector.shape_cast %get3A_52 : vector<1x6x16xf32> to vector<6x16xf32>
      %add3A_54 = arith.addf %add3A_48, %get3A_53 : vector<6x16xf32>
      %get3A_55 = arith.constant 5 : index
      %get3A_56 = arith.constant 0 : index
      %get3A_57 = arith.constant 0 : index
      %get3A_58 = vector.load %arg3[%get3A_55, %get3A_56, %get3A_57] : memref<32x6x16xf32, #tpu.memory_space<vmem>>, vector<1x6x16xf32>
      %get3A_59 = vector.shape_cast %get3A_58 : vector<1x6x16xf32> to vector<6x16xf32>
      %add3A_60 = arith.addf %add3A_54, %get3A_59 : vector<6x16xf32>
      %get3A_61 = arith.constant 6 : index
      %get3A_62 = arith.constant 0 : index
      %get3A_63 = arith.constant 0 : index
      %get3A_64 = vector.load %arg3[%get3A_61, %get3A_62, %get3A_63] : memref<32x6x16xf32, #tpu.memory_space<vmem>>, vector<1x6x16xf32>
      %get3A_65 = vector.shape_cast %get3A_64 : vector<1x6x16xf32> to vector<6x16xf32>
      %add3A_66 = arith.addf %add3A_60, %get3A_65 : vector<6x16xf32>
      %get3A_67 = arith.constant 7 : index
      %get3A_68 = arith.constant 0 : index
      %get3A_69 = arith.constant 0 : index
      %get3A_70 = vector.load %arg3[%get3A_67, %get3A_68, %get3A_69] : memref<32x6x16xf32, #tpu.memory_space<vmem>>, vector<1x6x16xf32>
      %get3A_71 = vector.shape_cast %get3A_70 : vector<1x6x16xf32> to vector<6x16xf32>
      %add3A_72 = arith.addf %add3A_66, %get3A_71 : vector<6x16xf32>
      %get3A_73 = arith.constant 8 : index
      %get3A_74 = arith.constant 0 : index
      %get3A_75 = arith.constant 0 : index
      %get3A_76 = vector.load %arg3[%get3A_73, %get3A_74, %get3A_75] : memref<32x6x16xf32, #tpu.memory_space<vmem>>, vector<1x6x16xf32>
      %get3A_77 = vector.shape_cast %get3A_76 : vector<1x6x16xf32> to vector<6x16xf32>
      %add3A_78 = arith.addf %add3A_72, %get3A_77 : vector<6x16xf32>
      %get3A_79 = arith.constant 9 : index
      %get3A_80 = arith.constant 0 : index
      %get3A_81 = arith.constant 0 : index
      %get3A_82 = vector.load %arg3[%get3A_79, %get3A_80, %get3A_81] : memref<32x6x16xf32, #tpu.memory_space<vmem>>, vector<1x6x16xf32>
      %get3A_83 = vector.shape_cast %get3A_82 : vector<1x6x16xf32> to vector<6x16xf32>
      %add3A_84 = arith.addf %add3A_78, %get3A_83 : vector<6x16xf32>
      %get3A_85 = arith.constant 10 : index
      %get3A_86 = arith.constant 0 : index
      %get3A_87 = arith.constant 0 : index
      %get3A_88 = vector.load %arg3[%get3A_85, %get3A_86, %get3A_87] : memref<32x6x16xf32, #tpu.memory_space<vmem>>, vector<1x6x16xf32>
      %get3A_89 = vector.shape_cast %get3A_88 : vector<1x6x16xf32> to vector<6x16xf32>
      %add3A_90 = arith.addf %add3A_84, %get3A_89 : vector<6x16xf32>
      %get3A_91 = arith.constant 11 : index
      %get3A_92 = arith.constant 0 : index
      %get3A_93 = arith.constant 0 : index
      %get3A_94 = vector.load %arg3[%get3A_91, %get3A_92, %get3A_93] : memref<32x6x16xf32, #tpu.memory_space<vmem>>, vector<1x6x16xf32>
      %get3A_95 = vector.shape_cast %get3A_94 : vector<1x6x16xf32> to vector<6x16xf32>
      %add3A_96 = arith.addf %add3A_90, %get3A_95 : vector<6x16xf32>
      %get3A_97 = arith.constant 12 : index
      %get3A_98 = arith.constant 0 : index
      %get3A_99 = arith.constant 0 : index
      %get3A_100 = vector.load %arg3[%get3A_97, %get3A_98, %get3A_99] : memref<32x6x16xf32, #tpu.memory_space<vmem>>, vector<1x6x16xf32>
      %get3A_101 = vector.shape_cast %get3A_100 : vector<1x6x16xf32> to vector<6x16xf32>
      %add3A_102 = arith.addf %add3A_96, %get3A_101 : vector<6x16xf32>
      %get3A_103 = arith.constant 13 : index
      %get3A_104 = arith.constant 0 : index
      %get3A_105 = arith.constant 0 : index
      %get3A_106 = vector.load %arg3[%get3A_103, %get3A_104, %get3A_105] : memref<32x6x16xf32, #tpu.memory_space<vmem>>, vector<1x6x16xf32>
      %get3A_107 = vector.shape_cast %get3A_106 : vector<1x6x16xf32> to vector<6x16xf32>
      %add3A_108 = arith.addf %add3A_102, %get3A_107 : vector<6x16xf32>
      %get3A_109 = arith.constant 14 : index
      %get3A_110 = arith.constant 0 : index
      %get3A_111 = arith.constant 0 : index
      %get3A_112 = vector.load %arg3[%get3A_109, %get3A_110, %get3A_111] : memref<32x6x16xf32, #tpu.memory_space<vmem>>, vector<1x6x16xf32>
      %get3A_113 = vector.shape_cast %get3A_112 : vector<1x6x16xf32> to vector<6x16xf32>
      %add3A_114 = arith.addf %add3A_108, %get3A_113 : vector<6x16xf32>
      %get3A_115 = arith.constant 15 : index
      %get3A_116 = arith.constant 0 : index
      %get3A_117 = arith.constant 0 : index
      %get3A_118 = vector.load %arg3[%get3A_115, %get3A_116, %get3A_117] : memref<32x6x16xf32, #tpu.memory_space<vmem>>, vector<1x6x16xf32>
      %get3A_119 = vector.shape_cast %get3A_118 : vector<1x6x16xf32> to vector<6x16xf32>
      %add3A_120 = arith.addf %add3A_114, %get3A_119 : vector<6x16xf32>
      %get3A_121 = arith.constant 16 : index
      %get3A_122 = arith.constant 0 : index
      %get3A_123 = arith.constant 0 : index
      %get3A_124 = vector.load %arg3[%get3A_121, %get3A_122, %get3A_123] : memref<32x6x16xf32, #tpu.memory_space<vmem>>, vector<1x6x16xf32>
      %get3A_125 = vector.shape_cast %get3A_124 : vector<1x6x16xf32> to vector<6x16xf32>
      %add3A_126 = arith.addf %add3A_120, %get3A_125 : vector<6x16xf32>
      %get3A_127 = arith.constant 17 : index
      %get3A_128 = arith.constant 0 : index
      %get3A_129 = arith.constant 0 : index
      %get3A_130 = vector.load %arg3[%get3A_127, %get3A_128, %get3A_129] : memref<32x6x16xf32, #tpu.memory_space<vmem>>, vector<1x6x16xf32>
      %get3A_131 = vector.shape_cast %get3A_130 : vector<1x6x16xf32> to vector<6x16xf32>
      %add3A_132 = arith.addf %add3A_126, %get3A_131 : vector<6x16xf32>
      %get3A_133 = arith.constant 18 : index
      %get3A_134 = arith.constant 0 : index
      %get3A_135 = arith.constant 0 : index
      %get3A_136 = vector.load %arg3[%get3A_133, %get3A_134, %get3A_135] : memref<32x6x16xf32, #tpu.memory_space<vmem>>, vector<1x6x16xf32>
      %get3A_137 = vector.shape_cast %get3A_136 : vector<1x6x16xf32> to vector<6x16xf32>
      %add3A_138 = arith.addf %add3A_132, %get3A_137 : vector<6x16xf32>
      %get3A_139 = arith.constant 19 : index
      %get3A_140 = arith.constant 0 : index
      %get3A_141 = arith.constant 0 : index
      %get3A_142 = vector.load %arg3[%get3A_139, %get3A_140, %get3A_141] : memref<32x6x16xf32, #tpu.memory_space<vmem>>, vector<1x6x16xf32>
      %get3A_143 = vector.shape_cast %get3A_142 : vector<1x6x16xf32> to vector<6x16xf32>
      %add3A_144 = arith.addf %add3A_138, %get3A_143 : vector<6x16xf32>
      %get3A_145 = arith.constant 20 : index
      %get3A_146 = arith.constant 0 : index
      %get3A_147 = arith.constant 0 : index
      %get3A_148 = vector.load %arg3[%get3A_145, %get3A_146, %get3A_147] : memref<32x6x16xf32, #tpu.memory_space<vmem>>, vector<1x6x16xf32>
      %get3A_149 = vector.shape_cast %get3A_148 : vector<1x6x16xf32> to vector<6x16xf32>
      %add3A_150 = arith.addf %add3A_144, %get3A_149 : vector<6x16xf32>
      %get3A_151 = arith.constant 21 : index
      %get3A_152 = arith.constant 0 : index
      %get3A_153 = arith.constant 0 : index
      %get3A_154 = vector.load %arg3[%get3A_151, %get3A_152, %get3A_153] : memref<32x6x16xf32, #tpu.memory_space<vmem>>, vector<1x6x16xf32>
      %get3A_155 = vector.shape_cast %get3A_154 : vector<1x6x16xf32> to vector<6x16xf32>
      %add3A_156 = arith.addf %add3A_150, %get3A_155 : vector<6x16xf32>
      %get3A_157 = arith.constant 22 : index
      %get3A_158 = arith.constant 0 : index
      %get3A_159 = arith.constant 0 : index
      %get3A_160 = vector.load %arg3[%get3A_157, %get3A_158, %get3A_159] : memref<32x6x16xf32, #tpu.memory_space<vmem>>, vector<1x6x16xf32>
      %get3A_161 = vector.shape_cast %get3A_160 : vector<1x6x16xf32> to vector<6x16xf32>
      %add3A_162 = arith.addf %add3A_156, %get3A_161 : vector<6x16xf32>
      %get3A_163 = arith.constant 23 : index
      %get3A_164 = arith.constant 0 : index
      %get3A_165 = arith.constant 0 : index
      %get3A_166 = vector.load %arg3[%get3A_163, %get3A_164, %get3A_165] : memref<32x6x16xf32, #tpu.memory_space<vmem>>, vector<1x6x16xf32>
      %get3A_167 = vector.shape_cast %get3A_166 : vector<1x6x16xf32> to vector<6x16xf32>
      %add3A_168 = arith.addf %add3A_162, %get3A_167 : vector<6x16xf32>
      %get3A_169 = arith.constant 24 : index
      %get3A_170 = arith.constant 0 : index
      %get3A_171 = arith.constant 0 : index
      %get3A_172 = vector.load %arg3[%get3A_169, %get3A_170, %get3A_171] : memref<32x6x16xf32, #tpu.memory_space<vmem>>, vector<1x6x16xf32>
      %get3A_173 = vector.shape_cast %get3A_172 : vector<1x6x16xf32> to vector<6x16xf32>
      %add3A_174 = arith.addf %add3A_168, %get3A_173 : vector<6x16xf32>
      %get3A_175 = arith.constant 25 : index
      %get3A_176 = arith.constant 0 : index
      %get3A_177 = arith.constant 0 : index
      %get3A_178 = vector.load %arg3[%get3A_175, %get3A_176, %get3A_177] : memref<32x6x16xf32, #tpu.memory_space<vmem>>, vector<1x6x16xf32>
      %get3A_179 = vector.shape_cast %get3A_178 : vector<1x6x16xf32> to vector<6x16xf32>
      %add3A_180 = arith.addf %add3A_174, %get3A_179 : vector<6x16xf32>
      %get3A_181 = arith.constant 26 : index
      %get3A_182 = arith.constant 0 : index
      %get3A_183 = arith.constant 0 : index
      %get3A_184 = vector.load %arg3[%get3A_181, %get3A_182, %get3A_183] : memref<32x6x16xf32, #tpu.memory_space<vmem>>, vector<1x6x16xf32>
      %get3A_185 = vector.shape_cast %get3A_184 : vector<1x6x16xf32> to vector<6x16xf32>
      %add3A_186 = arith.addf %add3A_180, %get3A_185 : vector<6x16xf32>
      %get3A_187 = arith.constant 27 : index
      %get3A_188 = arith.constant 0 : index
      %get3A_189 = arith.constant 0 : index
      %get3A_190 = vector.load %arg3[%get3A_187, %get3A_188, %get3A_189] : memref<32x6x16xf32, #tpu.memory_space<vmem>>, vector<1x6x16xf32>
      %get3A_191 = vector.shape_cast %get3A_190 : vector<1x6x16xf32> to vector<6x16xf32>
      %add3A_192 = arith.addf %add3A_186, %get3A_191 : vector<6x16xf32>
      %get3A_193 = arith.constant 28 : index
      %get3A_194 = arith.constant 0 : index
      %get3A_195 = arith.constant 0 : index
      %get3A_196 = vector.load %arg3[%get3A_193, %get3A_194, %get3A_195] : memref<32x6x16xf32, #tpu.memory_space<vmem>>, vector<1x6x16xf32>
      %get3A_197 = vector.shape_cast %get3A_196 : vector<1x6x16xf32> to vector<6x16xf32>
      %add3A_198 = arith.addf %add3A_192, %get3A_197 : vector<6x16xf32>
      %get3A_199 = arith.constant 29 : index
      %get3A_200 = arith.constant 0 : index
      %get3A_201 = arith.constant 0 : index
      %get3A_202 = vector.load %arg3[%get3A_199, %get3A_200, %get3A_201] : memref<32x6x16xf32, #tpu.memory_space<vmem>>, vector<1x6x16xf32>
      %get3A_203 = vector.shape_cast %get3A_202 : vector<1x6x16xf32> to vector<6x16xf32>
      %add3A_204 = arith.addf %add3A_198, %get3A_203 : vector<6x16xf32>
      %get3A_205 = arith.constant 30 : index
      %get3A_206 = arith.constant 0 : index
      %get3A_207 = arith.constant 0 : index
      %get3A_208 = vector.load %arg3[%get3A_205, %get3A_206, %get3A_207] : memref<32x6x16xf32, #tpu.memory_space<vmem>>, vector<1x6x16xf32>
      %get3A_209 = vector.shape_cast %get3A_208 : vector<1x6x16xf32> to vector<6x16xf32>
      %add3A_210 = arith.addf %add3A_204, %get3A_209 : vector<6x16xf32>
      %get3A_211 = arith.constant 31 : index
      %get3A_212 = arith.constant 0 : index
      %get3A_213 = arith.constant 0 : index
      %get3A_214 = vector.load %arg3[%get3A_211, %get3A_212, %get3A_213] : memref<32x6x16xf32, #tpu.memory_space<vmem>>, vector<1x6x16xf32>
      %get3A_215 = vector.shape_cast %get3A_214 : vector<1x6x16xf32> to vector<6x16xf32>
      %add3A_216 = arith.addf %add3A_210, %get3A_215 : vector<6x16xf32>
      %reduce_sum3A = arith.constant dense<0.000000e+00> : vector<6xf32>
      %reduce_sum3A_217 = vector.multi_reduction <add>, %add3A_216, %reduce_sum3A [1] : vector<6x16xf32> to vector<6xf32>
      %broadcast_in_dim3A_218 = vector.shape_cast %reduce_sum3A_217 : vector<6xf32> to vector<6x1xf32>
      %swap3A_219 = arith.constant 0 : index
      %swap3A_220 = arith.constant 0 : index
      %swap3A_221 = vector.load %arg5[%swap3A_219, %swap3A_220] : memref<6x1xf32, #tpu.memory_space<vmem>>, vector<6x1xf32>
      tpu.vector_store %arg5[%swap3A_219, %swap3A_220], %broadcast_in_dim3A_218 {strides = array<i32>} : memref<6x1xf32, #tpu.memory_space<vmem>>, vector<6x1xf32>,
    } else {
    }
    %gt3A = arith.constant 0 : i32
    %gt3A_14 = arith.cmpi sgt, %arg0, %gt3A : i32
    %convert_element_type3A_15 = arith.extui %gt3A_14 : i1 to i32
    %cond3A_16 = arith.constant 0 : i32
    %cond3A_17 = arith.cmpi ne, %convert_element_type3A_15, %cond3A_16 : i32
    scf.if %cond3A_17 {
      %get3A_23 = arith.constant 0 : index
      %get3A_24 = arith.constant 0 : index
      %get3A_25 = vector.load %arg4[%get3A_23, %get3A_24] : memref<6x256xf32, #tpu.memory_space<vmem>>, vector<6x256xf32>
      %add3A = arith.addf %get3A_25, %dot_general3A_9 : vector<6x256xf32>
      %swap3A = arith.constant 0 : index
      %swap3A_26 = arith.constant 0 : index
      %swap3A_27 = vector.load %arg4[%swap3A, %swap3A_26] : memref<6x256xf32, #tpu.memory_space<vmem>>, vector<6x256xf32>
      tpu.vector_store %arg4[%swap3A, %swap3A_26], %add3A {strides = array<i32>} : memref<6x256xf32, #tpu.memory_space<vmem>>, vector<6x256xf32>,
    } else {
    }
    %eq3A_18 = arith.constant 7 : i32
    %eq3A_19 = arith.cmpi eq, %arg0, %eq3A_18 : i32
    %convert_element_type3A_20 = arith.extui %eq3A_19 : i1 to i32
    %cond3A_21 = arith.constant 0 : i32
    %cond3A_22 = arith.cmpi ne, %convert_element_type3A_20, %cond3A_21 : i32
    scf.if %cond3A_22 {
      %get3A_23 = arith.constant 0 : index
      %get3A_24 = arith.constant 0 : index
      %get3A_25 = vector.load %arg4[%get3A_23, %get3A_24] : memref<6x256xf32, #tpu.memory_space<vmem>>, vector<6x256xf32>
      %get3A_26 = arith.constant 0 : index
      %get3A_27 = arith.constant 0 : index
      %get3A_28 = vector.load %arg5[%get3A_26, %get3A_27] : memref<6x1xf32, #tpu.memory_space<vmem>>, vector<6x1xf32>
      %gt3A_29 = arith.constant 0.000000e+00 : f32
      %gt3A_30 = vector.broadcast %gt3A_29 : f32 to vector<6x1xf32>
      %gt3A_31 = arith.cmpf ogt, %get3A_28, %gt3A_30 : vector<6x1xf32>
      %jit3A = arith.constant 1.000000e+00 : f32
      %broadcast_in_dim3A = vector.broadcast %jit3A : f32 to vector<6x1xf32>
      %select_n3A = arith.select %gt3A_31, %get3A_28, %broadcast_in_dim3A : vector<6x1xi1>, vector<6x1xf32>
      %div3A = vector.broadcast %select_n3A : vector<6x1xf32> to vector<6x256xf32>
      %div3A_32 = arith.divf %get3A_25, %div3A : vector<6x256xf32>
      %mul3A = arith.mulf %div3A_32, %div3A_32 : vector<6x256xf32>
      %reduce_sum3A = arith.constant dense<0.000000e+00> : vector<6xf32>
      %reduce_sum3A_33 = vector.multi_reduction <add>, %mul3A, %reduce_sum3A [1] : vector<6x256xf32> to vector<6xf32>
      %broadcast_in_dim3A_34 = vector.shape_cast %reduce_sum3A_33 : vector<6xf32> to vector<6x1xf32>
      %sqrt3A = math.sqrt %broadcast_in_dim3A_34 : vector<6x1xf32>
      %gt3A_35 = arith.constant 0.000000e+00 : f32
      %gt3A_36 = vector.broadcast %gt3A_35 : f32 to vector<6x1xf32>
      %gt3A_37 = arith.cmpf ogt, %sqrt3A, %gt3A_36 : vector<6x1xf32>
      %jit3A_38 = arith.constant 1.000000e+00 : f32
      %broadcast_in_dim3A_39 = vector.broadcast %jit3A_38 : f32 to vector<6x1xf32>
      %select_n3A_40 = arith.select %gt3A_37, %sqrt3A, %broadcast_in_dim3A_39 : vector<6x1xi1>, vector<6x1xf32>
      %div3A_41 = vector.broadcast %select_n3A_40 : vector<6x1xf32> to vector<6x256xf32>
      %div3A_42 = arith.divf %div3A_32, %div3A_41 : vector<6x256xf32>
      %div3A_43 = arith.constant 2.000000e-01 : f32
      %div3A_44 = vector.broadcast %div3A_43 : f32 to vector<6x256xf32>
      %div3A_45 = arith.divf %div3A_42, %div3A_44 : vector<6x256xf32>
      %swap3A = arith.constant 0 : index
      %swap3A_46 = arith.constant 0 : index
      %swap3A_47 = vector.load %arg4[%swap3A, %swap3A_46] : memref<6x256xf32, #tpu.memory_space<vmem>>, vector<6x256xf32>
      tpu.vector_store %arg4[%swap3A, %swap3A_46], %div3A_45 {strides = array<i32>} : memref<6x256xf32, #tpu.memory_space<vmem>>, vector<6x256xf32>,
    } else {
    }
    return
  }
  func.func @transform_0(%arg0: i32) -> (i32, i32, i32) {
    %c0_i32 = arith.constant 0 : i32
    %c0_i32_0 = arith.constant 0 : i32
    %c0_i32_1 = arith.constant 0 : i32
    return %arg0, %c0_i32, %c0_i32_0 : i32, i32, i32
  }
  func.func @transform_1(%arg0: i32) -> (i32, i32) {
    %c0_i32 = arith.constant 0 : i32
    %c0_i32_0 = arith.constant 0 : i32
    %c0_i32_1 = arith.constant 0 : i32
    return %c0_i32, %c0_i32_0 : i32, i32
  }
  func.func @transform_2(%arg0: i32) -> (i32, i32, i32) {
    %c0_i32 = arith.constant 0 : i32
    %c0_i32_0 = arith.constant 0 : i32
    %c0_i32_1 = arith.constant 0 : i32
    %c0_i32_2 = arith.constant 0 : i32
    return %c0_i32, %c0_i32_0, %c0_i32_1 : i32, i32, i32
  }
  func.func @transform_3(%arg0: i32) -> (i32, i32) {
    %c0_i32 = arith.constant 0 : i32
    %c0_i32_0 = arith.constant 0 : i32
    %c0_i32_1 = arith.constant 0 : i32
    return %c0_i32, %c0_i32_0 : i32, i32
  }
  func.func @transform_4(%arg0: i32) -> (i32, i32) {
    %c0_i32 = arith.constant 0 : i32
    %c0_i32_0 = arith.constant 0 : i32
    %c0_i32_1 = arith.constant 0 : i32
    return %c0_i32, %c0_i32_0 : i32, i32
  }
}

module attributes {stable_mosaic.version = 14 : i64} {
  func.func @_loss_kernel(%arg0: i32, %arg1: memref<6x2000x256xf32, #tpu.memory_space<vmem>>, %arg2: memref<6x256xf32, #tpu.memory_space<vmem>>, %arg3: memref<6x1xf32, #tpu.memory_space<vmem>>, %arg4: memref<1x1xf32, #tpu.memory_space<vmem>>, %arg5: memref<6x256xf32, #tpu.memory_space<vmem>>, %arg6: memref<6x256xf32, #tpu.memory_space<vmem>>) attributes {dimension_semantics = [#tpu.dimension_semantics<arbitrary>], iteration_bounds = array<i64: 25>, scalar_prefetch = 0 : i64, scratch_operands = 2 : i64, tpu.core_type = #tpu.core_type<tc>, window_params = [{transform_indices = @transform_0, window_bounds = array<i64: 6, 2000, 256>}, {pipeline_mode = #tpu.pipeline_mode<synchronous>, transform_indices = @transform_1, window_bounds = array<i64: 6, 256>}, {pipeline_mode = #tpu.pipeline_mode<synchronous>, transform_indices = @transform_2, window_bounds = array<i64: 6, 1>}, {pipeline_mode = #tpu.pipeline_mode<synchronous>, transform_indices = @transform_3, window_bounds = array<i64: 1, 1>}]} {
    %get3A = arith.constant 0 : index
    %get3A_0 = arith.constant 0 : index
    %get3A_1 = vector.load %arg2[%get3A, %get3A_0] : memref<6x256xf32, #tpu.memory_space<vmem>>, vector<1x256xf32>
    %get3A_2 = arith.constant 1 : index
    %get3A_3 = arith.constant 0 : index
    %get3A_4 = vector.load %arg2[%get3A_2, %get3A_3] : memref<6x256xf32, #tpu.memory_space<vmem>>, vector<1x256xf32>
    %get3A_5 = arith.constant 2 : index
    %get3A_6 = arith.constant 0 : index
    %get3A_7 = vector.load %arg2[%get3A_5, %get3A_6] : memref<6x256xf32, #tpu.memory_space<vmem>>, vector<1x256xf32>
    %get3A_8 = arith.constant 3 : index
    %get3A_9 = arith.constant 0 : index
    %get3A_10 = vector.load %arg2[%get3A_8, %get3A_9] : memref<6x256xf32, #tpu.memory_space<vmem>>, vector<1x256xf32>
    %get3A_11 = arith.constant 4 : index
    %get3A_12 = arith.constant 0 : index
    %get3A_13 = vector.load %arg2[%get3A_11, %get3A_12] : memref<6x256xf32, #tpu.memory_space<vmem>>, vector<1x256xf32>
    %get3A_14 = arith.constant 5 : index
    %get3A_15 = arith.constant 0 : index
    %get3A_16 = vector.load %arg2[%get3A_14, %get3A_15] : memref<6x256xf32, #tpu.memory_space<vmem>>, vector<1x256xf32>
    %tile3A = tpu.concatenate %get3A_1, %get3A_1, %get3A_1, %get3A_1, %get3A_1, %get3A_1, %get3A_1, %get3A_1 in 0 : vector<1x256xf32>, vector<1x256xf32>, vector<1x256xf32>, vector<1x256xf32>, vector<1x256xf32>, vector<1x256xf32>, vector<1x256xf32>, vector<1x256xf32> -> vector<8x256xf32>
    %tile3A_17 = tpu.concatenate %get3A_4, %get3A_4, %get3A_4, %get3A_4, %get3A_4, %get3A_4, %get3A_4, %get3A_4 in 0 : vector<1x256xf32>, vector<1x256xf32>, vector<1x256xf32>, vector<1x256xf32>, vector<1x256xf32>, vector<1x256xf32>, vector<1x256xf32>, vector<1x256xf32> -> vector<8x256xf32>
    %tile3A_18 = tpu.concatenate %get3A_7, %get3A_7, %get3A_7, %get3A_7, %get3A_7, %get3A_7, %get3A_7, %get3A_7 in 0 : vector<1x256xf32>, vector<1x256xf32>, vector<1x256xf32>, vector<1x256xf32>, vector<1x256xf32>, vector<1x256xf32>, vector<1x256xf32>, vector<1x256xf32> -> vector<8x256xf32>
    %tile3A_19 = tpu.concatenate %get3A_10, %get3A_10, %get3A_10, %get3A_10, %get3A_10, %get3A_10, %get3A_10, %get3A_10 in 0 : vector<1x256xf32>, vector<1x256xf32>, vector<1x256xf32>, vector<1x256xf32>, vector<1x256xf32>, vector<1x256xf32>, vector<1x256xf32>, vector<1x256xf32> -> vector<8x256xf32>
    %tile3A_20 = tpu.concatenate %get3A_13, %get3A_13, %get3A_13, %get3A_13, %get3A_13, %get3A_13, %get3A_13, %get3A_13 in 0 : vector<1x256xf32>, vector<1x256xf32>, vector<1x256xf32>, vector<1x256xf32>, vector<1x256xf32>, vector<1x256xf32>, vector<1x256xf32>, vector<1x256xf32> -> vector<8x256xf32>
    %tile3A_21 = tpu.concatenate %get3A_16, %get3A_16, %get3A_16, %get3A_16, %get3A_16, %get3A_16, %get3A_16, %get3A_16 in 0 : vector<1x256xf32>, vector<1x256xf32>, vector<1x256xf32>, vector<1x256xf32>, vector<1x256xf32>, vector<1x256xf32>, vector<1x256xf32>, vector<1x256xf32> -> vector<8x256xf32>
    %broadcast_in_dim3A = arith.constant 0.000000e+00 : f32
    %broadcast_in_dim3A_22 = vector.broadcast %broadcast_in_dim3A : f32 to vector<8x256xf32>
    %broadcast_in_dim3A_23 = arith.constant 0.000000e+00 : f32
    %broadcast_in_dim3A_24 = vector.broadcast %broadcast_in_dim3A_23 : f32 to vector<8x256xf32>
    %broadcast_in_dim3A_25 = arith.constant 0.000000e+00 : f32
    %broadcast_in_dim3A_26 = vector.broadcast %broadcast_in_dim3A_25 : f32 to vector<8x256xf32>
    %broadcast_in_dim3A_27 = arith.constant 0.000000e+00 : f32
    %broadcast_in_dim3A_28 = vector.broadcast %broadcast_in_dim3A_27 : f32 to vector<8x256xf32>
    %broadcast_in_dim3A_29 = arith.constant 0.000000e+00 : f32
    %broadcast_in_dim3A_30 = vector.broadcast %broadcast_in_dim3A_29 : f32 to vector<8x256xf32>
    %broadcast_in_dim3A_31 = arith.constant 0.000000e+00 : f32
    %broadcast_in_dim3A_32 = vector.broadcast %broadcast_in_dim3A_31 : f32 to vector<8x256xf32>
    %scan3A = arith.constant 0 : i32
    %scan3A_33 = arith.constant 248 : i32
    %scan3A_34 = arith.addi %scan3A, %scan3A_33 : i32
    %scan3A_35 = arith.constant 4 : i32
    %scan3A_36:6 = scf.for %scan3A_274 = %scan3A to %scan3A_34 step %scan3A_35 iter_args(%scan3A_275 = %broadcast_in_dim3A_22, %scan3A_276 = %broadcast_in_dim3A_24, %scan3A_277 = %broadcast_in_dim3A_26, %scan3A_278 = %broadcast_in_dim3A_28, %scan3A_279 = %broadcast_in_dim3A_30, %scan3A_280 = %broadcast_in_dim3A_32) -> (vector<8x256xf32>, vector<8x256xf32>, vector<8x256xf32>, vector<8x256xf32>, vector<8x256xf32>, vector<8x256xf32>)  : i32 {
      %mul3A_281 = arith.constant 8 : i32
      %mul3A_282 = arith.muli %scan3A_274, %mul3A_281 : i32
      %get3A_283 = arith.constant 0 : index
      %get3A_284 = arith.index_cast %mul3A_282 : i32 to index
      %get3A_285 = arith.constant 0 : index
      %get3A_286 = vector.load %arg1[%get3A_283, %get3A_284, %get3A_285] : memref<6x2000x256xf32, #tpu.memory_space<vmem>>, vector<1x8x256xf32>
      %get3A_287 = vector.shape_cast %get3A_286 : vector<1x8x256xf32> to vector<8x256xf32>
      %get3A_288 = arith.constant 1 : index
      %get3A_289 = arith.index_cast %mul3A_282 : i32 to index
      %get3A_290 = arith.constant 0 : index
      %get3A_291 = vector.load %arg1[%get3A_288, %get3A_289, %get3A_290] : memref<6x2000x256xf32, #tpu.memory_space<vmem>>, vector<1x8x256xf32>
      %get3A_292 = vector.shape_cast %get3A_291 : vector<1x8x256xf32> to vector<8x256xf32>
      %get3A_293 = arith.constant 2 : index
      %get3A_294 = arith.index_cast %mul3A_282 : i32 to index
      %get3A_295 = arith.constant 0 : index
      %get3A_296 = vector.load %arg1[%get3A_293, %get3A_294, %get3A_295] : memref<6x2000x256xf32, #tpu.memory_space<vmem>>, vector<1x8x256xf32>
      %get3A_297 = vector.shape_cast %get3A_296 : vector<1x8x256xf32> to vector<8x256xf32>
      %get3A_298 = arith.constant 3 : index
      %get3A_299 = arith.index_cast %mul3A_282 : i32 to index
      %get3A_300 = arith.constant 0 : index
      %get3A_301 = vector.load %arg1[%get3A_298, %get3A_299, %get3A_300] : memref<6x2000x256xf32, #tpu.memory_space<vmem>>, vector<1x8x256xf32>
      %get3A_302 = vector.shape_cast %get3A_301 : vector<1x8x256xf32> to vector<8x256xf32>
      %get3A_303 = arith.constant 4 : index
      %get3A_304 = arith.index_cast %mul3A_282 : i32 to index
      %get3A_305 = arith.constant 0 : index
      %get3A_306 = vector.load %arg1[%get3A_303, %get3A_304, %get3A_305] : memref<6x2000x256xf32, #tpu.memory_space<vmem>>, vector<1x8x256xf32>
      %get3A_307 = vector.shape_cast %get3A_306 : vector<1x8x256xf32> to vector<8x256xf32>
      %get3A_308 = arith.constant 5 : index
      %get3A_309 = arith.index_cast %mul3A_282 : i32 to index
      %get3A_310 = arith.constant 0 : index
      %get3A_311 = vector.load %arg1[%get3A_308, %get3A_309, %get3A_310] : memref<6x2000x256xf32, #tpu.memory_space<vmem>>, vector<1x8x256xf32>
      %get3A_312 = vector.shape_cast %get3A_311 : vector<1x8x256xf32> to vector<8x256xf32>
      %add3A_313 = arith.addf %get3A_287, %get3A_292 : vector<8x256xf32>
      %add3A_314 = arith.addf %get3A_297, %get3A_302 : vector<8x256xf32>
      %add3A_315 = arith.addf %add3A_313, %add3A_314 : vector<8x256xf32>
      %add3A_316 = arith.addf %get3A_307, %get3A_312 : vector<8x256xf32>
      %add3A_317 = arith.addf %add3A_315, %add3A_316 : vector<8x256xf32>
      %mul3A_318 = arith.mulf %tile3A, %get3A_287 : vector<8x256xf32>
      %sub3A_319 = arith.subf %add3A_317, %get3A_287 : vector<8x256xf32>
      %mul3A_320 = arith.mulf %tile3A, %sub3A_319 : vector<8x256xf32>
      %exp3A_321 = math.exp %mul3A_318 : vector<8x256xf32>
      %add3A_322 = arith.addf %scan3A_275, %exp3A_321 : vector<8x256xf32>
      %exp3A_323 = math.exp %mul3A_320 : vector<8x256xf32>
      %add3A_324 = arith.addf %add3A_322, %exp3A_323 : vector<8x256xf32>
      %mul3A_325 = arith.mulf %tile3A_17, %get3A_292 : vector<8x256xf32>
      %sub3A_326 = arith.subf %add3A_317, %get3A_292 : vector<8x256xf32>
      %mul3A_327 = arith.mulf %tile3A_17, %sub3A_326 : vector<8x256xf32>
      %exp3A_328 = math.exp %mul3A_325 : vector<8x256xf32>
      %add3A_329 = arith.addf %scan3A_276, %exp3A_328 : vector<8x256xf32>
      %exp3A_330 = math.exp %mul3A_327 : vector<8x256xf32>
      %add3A_331 = arith.addf %add3A_329, %exp3A_330 : vector<8x256xf32>
      %mul3A_332 = arith.mulf %tile3A_18, %get3A_297 : vector<8x256xf32>
      %sub3A_333 = arith.subf %add3A_317, %get3A_297 : vector<8x256xf32>
      %mul3A_334 = arith.mulf %tile3A_18, %sub3A_333 : vector<8x256xf32>
      %exp3A_335 = math.exp %mul3A_332 : vector<8x256xf32>
      %add3A_336 = arith.addf %scan3A_277, %exp3A_335 : vector<8x256xf32>
      %exp3A_337 = math.exp %mul3A_334 : vector<8x256xf32>
      %add3A_338 = arith.addf %add3A_336, %exp3A_337 : vector<8x256xf32>
      %mul3A_339 = arith.mulf %tile3A_19, %get3A_302 : vector<8x256xf32>
      %sub3A_340 = arith.subf %add3A_317, %get3A_302 : vector<8x256xf32>
      %mul3A_341 = arith.mulf %tile3A_19, %sub3A_340 : vector<8x256xf32>
      %exp3A_342 = math.exp %mul3A_339 : vector<8x256xf32>
      %add3A_343 = arith.addf %scan3A_278, %exp3A_342 : vector<8x256xf32>
      %exp3A_344 = math.exp %mul3A_341 : vector<8x256xf32>
      %add3A_345 = arith.addf %add3A_343, %exp3A_344 : vector<8x256xf32>
      %mul3A_346 = arith.mulf %tile3A_20, %get3A_307 : vector<8x256xf32>
      %sub3A_347 = arith.subf %add3A_317, %get3A_307 : vector<8x256xf32>
      %mul3A_348 = arith.mulf %tile3A_20, %sub3A_347 : vector<8x256xf32>
      %exp3A_349 = math.exp %mul3A_346 : vector<8x256xf32>
      %add3A_350 = arith.addf %scan3A_279, %exp3A_349 : vector<8x256xf32>
      %exp3A_351 = math.exp %mul3A_348 : vector<8x256xf32>
      %add3A_352 = arith.addf %add3A_350, %exp3A_351 : vector<8x256xf32>
      %mul3A_353 = arith.mulf %tile3A_21, %get3A_312 : vector<8x256xf32>
      %sub3A_354 = arith.subf %add3A_317, %get3A_312 : vector<8x256xf32>
      %mul3A_355 = arith.mulf %tile3A_21, %sub3A_354 : vector<8x256xf32>
      %exp3A_356 = math.exp %mul3A_353 : vector<8x256xf32>
      %add3A_357 = arith.addf %scan3A_280, %exp3A_356 : vector<8x256xf32>
      %exp3A_358 = math.exp %mul3A_355 : vector<8x256xf32>
      %add3A_359 = arith.addf %add3A_357, %exp3A_358 : vector<8x256xf32>
      %scan3A_360 = arith.constant 1 : i32
      %scan3A_361 = arith.addi %scan3A_274, %scan3A_360 : i32
      %mul3A_362 = arith.constant 8 : i32
      %mul3A_363 = arith.muli %scan3A_361, %mul3A_362 : i32
      %get3A_364 = arith.constant 0 : index
      %get3A_365 = arith.index_cast %mul3A_363 : i32 to index
      %get3A_366 = arith.constant 0 : index
      %get3A_367 = vector.load %arg1[%get3A_364, %get3A_365, %get3A_366] : memref<6x2000x256xf32, #tpu.memory_space<vmem>>, vector<1x8x256xf32>
      %get3A_368 = vector.shape_cast %get3A_367 : vector<1x8x256xf32> to vector<8x256xf32>
      %get3A_369 = arith.constant 1 : index
      %get3A_370 = arith.index_cast %mul3A_363 : i32 to index
      %get3A_371 = arith.constant 0 : index
      %get3A_372 = vector.load %arg1[%get3A_369, %get3A_370, %get3A_371] : memref<6x2000x256xf32, #tpu.memory_space<vmem>>, vector<1x8x256xf32>
      %get3A_373 = vector.shape_cast %get3A_372 : vector<1x8x256xf32> to vector<8x256xf32>
      %get3A_374 = arith.constant 2 : index
      %get3A_375 = arith.index_cast %mul3A_363 : i32 to index
      %get3A_376 = arith.constant 0 : index
      %get3A_377 = vector.load %arg1[%get3A_374, %get3A_375, %get3A_376] : memref<6x2000x256xf32, #tpu.memory_space<vmem>>, vector<1x8x256xf32>
      %get3A_378 = vector.shape_cast %get3A_377 : vector<1x8x256xf32> to vector<8x256xf32>
      %get3A_379 = arith.constant 3 : index
      %get3A_380 = arith.index_cast %mul3A_363 : i32 to index
      %get3A_381 = arith.constant 0 : index
      %get3A_382 = vector.load %arg1[%get3A_379, %get3A_380, %get3A_381] : memref<6x2000x256xf32, #tpu.memory_space<vmem>>, vector<1x8x256xf32>
      %get3A_383 = vector.shape_cast %get3A_382 : vector<1x8x256xf32> to vector<8x256xf32>
      %get3A_384 = arith.constant 4 : index
      %get3A_385 = arith.index_cast %mul3A_363 : i32 to index
      %get3A_386 = arith.constant 0 : index
      %get3A_387 = vector.load %arg1[%get3A_384, %get3A_385, %get3A_386] : memref<6x2000x256xf32, #tpu.memory_space<vmem>>, vector<1x8x256xf32>
      %get3A_388 = vector.shape_cast %get3A_387 : vector<1x8x256xf32> to vector<8x256xf32>
      %get3A_389 = arith.constant 5 : index
      %get3A_390 = arith.index_cast %mul3A_363 : i32 to index
      %get3A_391 = arith.constant 0 : index
      %get3A_392 = vector.load %arg1[%get3A_389, %get3A_390, %get3A_391] : memref<6x2000x256xf32, #tpu.memory_space<vmem>>, vector<1x8x256xf32>
      %get3A_393 = vector.shape_cast %get3A_392 : vector<1x8x256xf32> to vector<8x256xf32>
      %add3A_394 = arith.addf %get3A_368, %get3A_373 : vector<8x256xf32>
      %add3A_395 = arith.addf %get3A_378, %get3A_383 : vector<8x256xf32>
      %add3A_396 = arith.addf %add3A_394, %add3A_395 : vector<8x256xf32>
      %add3A_397 = arith.addf %get3A_388, %get3A_393 : vector<8x256xf32>
      %add3A_398 = arith.addf %add3A_396, %add3A_397 : vector<8x256xf32>
      %mul3A_399 = arith.mulf %tile3A, %get3A_368 : vector<8x256xf32>
      %sub3A_400 = arith.subf %add3A_398, %get3A_368 : vector<8x256xf32>
      %mul3A_401 = arith.mulf %tile3A, %sub3A_400 : vector<8x256xf32>
      %exp3A_402 = math.exp %mul3A_399 : vector<8x256xf32>
      %add3A_403 = arith.addf %add3A_324, %exp3A_402 : vector<8x256xf32>
      %exp3A_404 = math.exp %mul3A_401 : vector<8x256xf32>
      %add3A_405 = arith.addf %add3A_403, %exp3A_404 : vector<8x256xf32>
      %mul3A_406 = arith.mulf %tile3A_17, %get3A_373 : vector<8x256xf32>
      %sub3A_407 = arith.subf %add3A_398, %get3A_373 : vector<8x256xf32>
      %mul3A_408 = arith.mulf %tile3A_17, %sub3A_407 : vector<8x256xf32>
      %exp3A_409 = math.exp %mul3A_406 : vector<8x256xf32>
      %add3A_410 = arith.addf %add3A_331, %exp3A_409 : vector<8x256xf32>
      %exp3A_411 = math.exp %mul3A_408 : vector<8x256xf32>
      %add3A_412 = arith.addf %add3A_410, %exp3A_411 : vector<8x256xf32>
      %mul3A_413 = arith.mulf %tile3A_18, %get3A_378 : vector<8x256xf32>
      %sub3A_414 = arith.subf %add3A_398, %get3A_378 : vector<8x256xf32>
      %mul3A_415 = arith.mulf %tile3A_18, %sub3A_414 : vector<8x256xf32>
      %exp3A_416 = math.exp %mul3A_413 : vector<8x256xf32>
      %add3A_417 = arith.addf %add3A_338, %exp3A_416 : vector<8x256xf32>
      %exp3A_418 = math.exp %mul3A_415 : vector<8x256xf32>
      %add3A_419 = arith.addf %add3A_417, %exp3A_418 : vector<8x256xf32>
      %mul3A_420 = arith.mulf %tile3A_19, %get3A_383 : vector<8x256xf32>
      %sub3A_421 = arith.subf %add3A_398, %get3A_383 : vector<8x256xf32>
      %mul3A_422 = arith.mulf %tile3A_19, %sub3A_421 : vector<8x256xf32>
      %exp3A_423 = math.exp %mul3A_420 : vector<8x256xf32>
      %add3A_424 = arith.addf %add3A_345, %exp3A_423 : vector<8x256xf32>
      %exp3A_425 = math.exp %mul3A_422 : vector<8x256xf32>
      %add3A_426 = arith.addf %add3A_424, %exp3A_425 : vector<8x256xf32>
      %mul3A_427 = arith.mulf %tile3A_20, %get3A_388 : vector<8x256xf32>
      %sub3A_428 = arith.subf %add3A_398, %get3A_388 : vector<8x256xf32>
      %mul3A_429 = arith.mulf %tile3A_20, %sub3A_428 : vector<8x256xf32>
      %exp3A_430 = math.exp %mul3A_427 : vector<8x256xf32>
      %add3A_431 = arith.addf %add3A_352, %exp3A_430 : vector<8x256xf32>
      %exp3A_432 = math.exp %mul3A_429 : vector<8x256xf32>
      %add3A_433 = arith.addf %add3A_431, %exp3A_432 : vector<8x256xf32>
      %mul3A_434 = arith.mulf %tile3A_21, %get3A_393 : vector<8x256xf32>
      %sub3A_435 = arith.subf %add3A_398, %get3A_393 : vector<8x256xf32>
      %mul3A_436 = arith.mulf %tile3A_21, %sub3A_435 : vector<8x256xf32>
      %exp3A_437 = math.exp %mul3A_434 : vector<8x256xf32>
      %add3A_438 = arith.addf %add3A_359, %exp3A_437 : vector<8x256xf32>
      %exp3A_439 = math.exp %mul3A_436 : vector<8x256xf32>
      %add3A_440 = arith.addf %add3A_438, %exp3A_439 : vector<8x256xf32>
      %scan3A_441 = arith.constant 2 : i32
      %scan3A_442 = arith.addi %scan3A_274, %scan3A_441 : i32
      %mul3A_443 = arith.constant 8 : i32
      %mul3A_444 = arith.muli %scan3A_442, %mul3A_443 : i32
      %get3A_445 = arith.constant 0 : index
      %get3A_446 = arith.index_cast %mul3A_444 : i32 to index
      %get3A_447 = arith.constant 0 : index
      %get3A_448 = vector.load %arg1[%get3A_445, %get3A_446, %get3A_447] : memref<6x2000x256xf32, #tpu.memory_space<vmem>>, vector<1x8x256xf32>
      %get3A_449 = vector.shape_cast %get3A_448 : vector<1x8x256xf32> to vector<8x256xf32>
      %get3A_450 = arith.constant 1 : index
      %get3A_451 = arith.index_cast %mul3A_444 : i32 to index
      %get3A_452 = arith.constant 0 : index
      %get3A_453 = vector.load %arg1[%get3A_450, %get3A_451, %get3A_452] : memref<6x2000x256xf32, #tpu.memory_space<vmem>>, vector<1x8x256xf32>
      %get3A_454 = vector.shape_cast %get3A_453 : vector<1x8x256xf32> to vector<8x256xf32>
      %get3A_455 = arith.constant 2 : index
      %get3A_456 = arith.index_cast %mul3A_444 : i32 to index
      %get3A_457 = arith.constant 0 : index
      %get3A_458 = vector.load %arg1[%get3A_455, %get3A_456, %get3A_457] : memref<6x2000x256xf32, #tpu.memory_space<vmem>>, vector<1x8x256xf32>
      %get3A_459 = vector.shape_cast %get3A_458 : vector<1x8x256xf32> to vector<8x256xf32>
      %get3A_460 = arith.constant 3 : index
      %get3A_461 = arith.index_cast %mul3A_444 : i32 to index
      %get3A_462 = arith.constant 0 : index
      %get3A_463 = vector.load %arg1[%get3A_460, %get3A_461, %get3A_462] : memref<6x2000x256xf32, #tpu.memory_space<vmem>>, vector<1x8x256xf32>
      %get3A_464 = vector.shape_cast %get3A_463 : vector<1x8x256xf32> to vector<8x256xf32>
      %get3A_465 = arith.constant 4 : index
      %get3A_466 = arith.index_cast %mul3A_444 : i32 to index
      %get3A_467 = arith.constant 0 : index
      %get3A_468 = vector.load %arg1[%get3A_465, %get3A_466, %get3A_467] : memref<6x2000x256xf32, #tpu.memory_space<vmem>>, vector<1x8x256xf32>
      %get3A_469 = vector.shape_cast %get3A_468 : vector<1x8x256xf32> to vector<8x256xf32>
      %get3A_470 = arith.constant 5 : index
      %get3A_471 = arith.index_cast %mul3A_444 : i32 to index
      %get3A_472 = arith.constant 0 : index
      %get3A_473 = vector.load %arg1[%get3A_470, %get3A_471, %get3A_472] : memref<6x2000x256xf32, #tpu.memory_space<vmem>>, vector<1x8x256xf32>
      %get3A_474 = vector.shape_cast %get3A_473 : vector<1x8x256xf32> to vector<8x256xf32>
      %add3A_475 = arith.addf %get3A_449, %get3A_454 : vector<8x256xf32>
      %add3A_476 = arith.addf %get3A_459, %get3A_464 : vector<8x256xf32>
      %add3A_477 = arith.addf %add3A_475, %add3A_476 : vector<8x256xf32>
      %add3A_478 = arith.addf %get3A_469, %get3A_474 : vector<8x256xf32>
      %add3A_479 = arith.addf %add3A_477, %add3A_478 : vector<8x256xf32>
      %mul3A_480 = arith.mulf %tile3A, %get3A_449 : vector<8x256xf32>
      %sub3A_481 = arith.subf %add3A_479, %get3A_449 : vector<8x256xf32>
      %mul3A_482 = arith.mulf %tile3A, %sub3A_481 : vector<8x256xf32>
      %exp3A_483 = math.exp %mul3A_480 : vector<8x256xf32>
      %add3A_484 = arith.addf %add3A_405, %exp3A_483 : vector<8x256xf32>
      %exp3A_485 = math.exp %mul3A_482 : vector<8x256xf32>
      %add3A_486 = arith.addf %add3A_484, %exp3A_485 : vector<8x256xf32>
      %mul3A_487 = arith.mulf %tile3A_17, %get3A_454 : vector<8x256xf32>
      %sub3A_488 = arith.subf %add3A_479, %get3A_454 : vector<8x256xf32>
      %mul3A_489 = arith.mulf %tile3A_17, %sub3A_488 : vector<8x256xf32>
      %exp3A_490 = math.exp %mul3A_487 : vector<8x256xf32>
      %add3A_491 = arith.addf %add3A_412, %exp3A_490 : vector<8x256xf32>
      %exp3A_492 = math.exp %mul3A_489 : vector<8x256xf32>
      %add3A_493 = arith.addf %add3A_491, %exp3A_492 : vector<8x256xf32>
      %mul3A_494 = arith.mulf %tile3A_18, %get3A_459 : vector<8x256xf32>
      %sub3A_495 = arith.subf %add3A_479, %get3A_459 : vector<8x256xf32>
      %mul3A_496 = arith.mulf %tile3A_18, %sub3A_495 : vector<8x256xf32>
      %exp3A_497 = math.exp %mul3A_494 : vector<8x256xf32>
      %add3A_498 = arith.addf %add3A_419, %exp3A_497 : vector<8x256xf32>
      %exp3A_499 = math.exp %mul3A_496 : vector<8x256xf32>
      %add3A_500 = arith.addf %add3A_498, %exp3A_499 : vector<8x256xf32>
      %mul3A_501 = arith.mulf %tile3A_19, %get3A_464 : vector<8x256xf32>
      %sub3A_502 = arith.subf %add3A_479, %get3A_464 : vector<8x256xf32>
      %mul3A_503 = arith.mulf %tile3A_19, %sub3A_502 : vector<8x256xf32>
      %exp3A_504 = math.exp %mul3A_501 : vector<8x256xf32>
      %add3A_505 = arith.addf %add3A_426, %exp3A_504 : vector<8x256xf32>
      %exp3A_506 = math.exp %mul3A_503 : vector<8x256xf32>
      %add3A_507 = arith.addf %add3A_505, %exp3A_506 : vector<8x256xf32>
      %mul3A_508 = arith.mulf %tile3A_20, %get3A_469 : vector<8x256xf32>
      %sub3A_509 = arith.subf %add3A_479, %get3A_469 : vector<8x256xf32>
      %mul3A_510 = arith.mulf %tile3A_20, %sub3A_509 : vector<8x256xf32>
      %exp3A_511 = math.exp %mul3A_508 : vector<8x256xf32>
      %add3A_512 = arith.addf %add3A_433, %exp3A_511 : vector<8x256xf32>
      %exp3A_513 = math.exp %mul3A_510 : vector<8x256xf32>
      %add3A_514 = arith.addf %add3A_512, %exp3A_513 : vector<8x256xf32>
      %mul3A_515 = arith.mulf %tile3A_21, %get3A_474 : vector<8x256xf32>
      %sub3A_516 = arith.subf %add3A_479, %get3A_474 : vector<8x256xf32>
      %mul3A_517 = arith.mulf %tile3A_21, %sub3A_516 : vector<8x256xf32>
      %exp3A_518 = math.exp %mul3A_515 : vector<8x256xf32>
      %add3A_519 = arith.addf %add3A_440, %exp3A_518 : vector<8x256xf32>
      %exp3A_520 = math.exp %mul3A_517 : vector<8x256xf32>
      %add3A_521 = arith.addf %add3A_519, %exp3A_520 : vector<8x256xf32>
      %scan3A_522 = arith.constant 3 : i32
      %scan3A_523 = arith.addi %scan3A_274, %scan3A_522 : i32
      %mul3A_524 = arith.constant 8 : i32
      %mul3A_525 = arith.muli %scan3A_523, %mul3A_524 : i32
      %get3A_526 = arith.constant 0 : index
      %get3A_527 = arith.index_cast %mul3A_525 : i32 to index
      %get3A_528 = arith.constant 0 : index
      %get3A_529 = vector.load %arg1[%get3A_526, %get3A_527, %get3A_528] : memref<6x2000x256xf32, #tpu.memory_space<vmem>>, vector<1x8x256xf32>
      %get3A_530 = vector.shape_cast %get3A_529 : vector<1x8x256xf32> to vector<8x256xf32>
      %get3A_531 = arith.constant 1 : index
      %get3A_532 = arith.index_cast %mul3A_525 : i32 to index
      %get3A_533 = arith.constant 0 : index
      %get3A_534 = vector.load %arg1[%get3A_531, %get3A_532, %get3A_533] : memref<6x2000x256xf32, #tpu.memory_space<vmem>>, vector<1x8x256xf32>
      %get3A_535 = vector.shape_cast %get3A_534 : vector<1x8x256xf32> to vector<8x256xf32>
      %get3A_536 = arith.constant 2 : index
      %get3A_537 = arith.index_cast %mul3A_525 : i32 to index
      %get3A_538 = arith.constant 0 : index
      %get3A_539 = vector.load %arg1[%get3A_536, %get3A_537, %get3A_538] : memref<6x2000x256xf32, #tpu.memory_space<vmem>>, vector<1x8x256xf32>
      %get3A_540 = vector.shape_cast %get3A_539 : vector<1x8x256xf32> to vector<8x256xf32>
      %get3A_541 = arith.constant 3 : index
      %get3A_542 = arith.index_cast %mul3A_525 : i32 to index
      %get3A_543 = arith.constant 0 : index
      %get3A_544 = vector.load %arg1[%get3A_541, %get3A_542, %get3A_543] : memref<6x2000x256xf32, #tpu.memory_space<vmem>>, vector<1x8x256xf32>
      %get3A_545 = vector.shape_cast %get3A_544 : vector<1x8x256xf32> to vector<8x256xf32>
      %get3A_546 = arith.constant 4 : index
      %get3A_547 = arith.index_cast %mul3A_525 : i32 to index
      %get3A_548 = arith.constant 0 : index
      %get3A_549 = vector.load %arg1[%get3A_546, %get3A_547, %get3A_548] : memref<6x2000x256xf32, #tpu.memory_space<vmem>>, vector<1x8x256xf32>
      %get3A_550 = vector.shape_cast %get3A_549 : vector<1x8x256xf32> to vector<8x256xf32>
      %get3A_551 = arith.constant 5 : index
      %get3A_552 = arith.index_cast %mul3A_525 : i32 to index
      %get3A_553 = arith.constant 0 : index
      %get3A_554 = vector.load %arg1[%get3A_551, %get3A_552, %get3A_553] : memref<6x2000x256xf32, #tpu.memory_space<vmem>>, vector<1x8x256xf32>
      %get3A_555 = vector.shape_cast %get3A_554 : vector<1x8x256xf32> to vector<8x256xf32>
      %add3A_556 = arith.addf %get3A_530, %get3A_535 : vector<8x256xf32>
      %add3A_557 = arith.addf %get3A_540, %get3A_545 : vector<8x256xf32>
      %add3A_558 = arith.addf %add3A_556, %add3A_557 : vector<8x256xf32>
      %add3A_559 = arith.addf %get3A_550, %get3A_555 : vector<8x256xf32>
      %add3A_560 = arith.addf %add3A_558, %add3A_559 : vector<8x256xf32>
      %mul3A_561 = arith.mulf %tile3A, %get3A_530 : vector<8x256xf32>
      %sub3A_562 = arith.subf %add3A_560, %get3A_530 : vector<8x256xf32>
      %mul3A_563 = arith.mulf %tile3A, %sub3A_562 : vector<8x256xf32>
      %exp3A_564 = math.exp %mul3A_561 : vector<8x256xf32>
      %add3A_565 = arith.addf %add3A_486, %exp3A_564 : vector<8x256xf32>
      %exp3A_566 = math.exp %mul3A_563 : vector<8x256xf32>
      %add3A_567 = arith.addf %add3A_565, %exp3A_566 : vector<8x256xf32>
      %mul3A_568 = arith.mulf %tile3A_17, %get3A_535 : vector<8x256xf32>
      %sub3A_569 = arith.subf %add3A_560, %get3A_535 : vector<8x256xf32>
      %mul3A_570 = arith.mulf %tile3A_17, %sub3A_569 : vector<8x256xf32>
      %exp3A_571 = math.exp %mul3A_568 : vector<8x256xf32>
      %add3A_572 = arith.addf %add3A_493, %exp3A_571 : vector<8x256xf32>
      %exp3A_573 = math.exp %mul3A_570 : vector<8x256xf32>
      %add3A_574 = arith.addf %add3A_572, %exp3A_573 : vector<8x256xf32>
      %mul3A_575 = arith.mulf %tile3A_18, %get3A_540 : vector<8x256xf32>
      %sub3A_576 = arith.subf %add3A_560, %get3A_540 : vector<8x256xf32>
      %mul3A_577 = arith.mulf %tile3A_18, %sub3A_576 : vector<8x256xf32>
      %exp3A_578 = math.exp %mul3A_575 : vector<8x256xf32>
      %add3A_579 = arith.addf %add3A_500, %exp3A_578 : vector<8x256xf32>
      %exp3A_580 = math.exp %mul3A_577 : vector<8x256xf32>
      %add3A_581 = arith.addf %add3A_579, %exp3A_580 : vector<8x256xf32>
      %mul3A_582 = arith.mulf %tile3A_19, %get3A_545 : vector<8x256xf32>
      %sub3A_583 = arith.subf %add3A_560, %get3A_545 : vector<8x256xf32>
      %mul3A_584 = arith.mulf %tile3A_19, %sub3A_583 : vector<8x256xf32>
      %exp3A_585 = math.exp %mul3A_582 : vector<8x256xf32>
      %add3A_586 = arith.addf %add3A_507, %exp3A_585 : vector<8x256xf32>
      %exp3A_587 = math.exp %mul3A_584 : vector<8x256xf32>
      %add3A_588 = arith.addf %add3A_586, %exp3A_587 : vector<8x256xf32>
      %mul3A_589 = arith.mulf %tile3A_20, %get3A_550 : vector<8x256xf32>
      %sub3A_590 = arith.subf %add3A_560, %get3A_550 : vector<8x256xf32>
      %mul3A_591 = arith.mulf %tile3A_20, %sub3A_590 : vector<8x256xf32>
      %exp3A_592 = math.exp %mul3A_589 : vector<8x256xf32>
      %add3A_593 = arith.addf %add3A_514, %exp3A_592 : vector<8x256xf32>
      %exp3A_594 = math.exp %mul3A_591 : vector<8x256xf32>
      %add3A_595 = arith.addf %add3A_593, %exp3A_594 : vector<8x256xf32>
      %mul3A_596 = arith.mulf %tile3A_21, %get3A_555 : vector<8x256xf32>
      %sub3A_597 = arith.subf %add3A_560, %get3A_555 : vector<8x256xf32>
      %mul3A_598 = arith.mulf %tile3A_21, %sub3A_597 : vector<8x256xf32>
      %exp3A_599 = math.exp %mul3A_596 : vector<8x256xf32>
      %add3A_600 = arith.addf %add3A_521, %exp3A_599 : vector<8x256xf32>
      %exp3A_601 = math.exp %mul3A_598 : vector<8x256xf32>
      %add3A_602 = arith.addf %add3A_600, %exp3A_601 : vector<8x256xf32>
      scf.yield %add3A_567, %add3A_574, %add3A_581, %add3A_588, %add3A_595, %add3A_602 : vector<8x256xf32>, vector<8x256xf32>, vector<8x256xf32>, vector<8x256xf32>, vector<8x256xf32>, vector<8x256xf32>
    }
    %scan3A_37 = arith.constant 248 : i32
    %scan3A_38 = arith.addi %scan3A, %scan3A_37 : i32
    %mul3A = arith.constant 8 : i32
    %mul3A_39 = arith.muli %scan3A_38, %mul3A : i32
    %get3A_40 = arith.constant 0 : index
    %get3A_41 = arith.index_cast %mul3A_39 : i32 to index
    %get3A_42 = arith.constant 0 : index
    %get3A_43 = vector.load %arg1[%get3A_40, %get3A_41, %get3A_42] : memref<6x2000x256xf32, #tpu.memory_space<vmem>>, vector<1x8x256xf32>
    %get3A_44 = vector.shape_cast %get3A_43 : vector<1x8x256xf32> to vector<8x256xf32>
    %get3A_45 = arith.constant 1 : index
    %get3A_46 = arith.index_cast %mul3A_39 : i32 to index
    %get3A_47 = arith.constant 0 : index
    %get3A_48 = vector.load %arg1[%get3A_45, %get3A_46, %get3A_47] : memref<6x2000x256xf32, #tpu.memory_space<vmem>>, vector<1x8x256xf32>
    %get3A_49 = vector.shape_cast %get3A_48 : vector<1x8x256xf32> to vector<8x256xf32>
    %get3A_50 = arith.constant 2 : index
    %get3A_51 = arith.index_cast %mul3A_39 : i32 to index
    %get3A_52 = arith.constant 0 : index
    %get3A_53 = vector.load %arg1[%get3A_50, %get3A_51, %get3A_52] : memref<6x2000x256xf32, #tpu.memory_space<vmem>>, vector<1x8x256xf32>
    %get3A_54 = vector.shape_cast %get3A_53 : vector<1x8x256xf32> to vector<8x256xf32>
    %get3A_55 = arith.constant 3 : index
    %get3A_56 = arith.index_cast %mul3A_39 : i32 to index
    %get3A_57 = arith.constant 0 : index
    %get3A_58 = vector.load %arg1[%get3A_55, %get3A_56, %get3A_57] : memref<6x2000x256xf32, #tpu.memory_space<vmem>>, vector<1x8x256xf32>
    %get3A_59 = vector.shape_cast %get3A_58 : vector<1x8x256xf32> to vector<8x256xf32>
    %get3A_60 = arith.constant 4 : index
    %get3A_61 = arith.index_cast %mul3A_39 : i32 to index
    %get3A_62 = arith.constant 0 : index
    %get3A_63 = vector.load %arg1[%get3A_60, %get3A_61, %get3A_62] : memref<6x2000x256xf32, #tpu.memory_space<vmem>>, vector<1x8x256xf32>
    %get3A_64 = vector.shape_cast %get3A_63 : vector<1x8x256xf32> to vector<8x256xf32>
    %get3A_65 = arith.constant 5 : index
    %get3A_66 = arith.index_cast %mul3A_39 : i32 to index
    %get3A_67 = arith.constant 0 : index
    %get3A_68 = vector.load %arg1[%get3A_65, %get3A_66, %get3A_67] : memref<6x2000x256xf32, #tpu.memory_space<vmem>>, vector<1x8x256xf32>
    %get3A_69 = vector.shape_cast %get3A_68 : vector<1x8x256xf32> to vector<8x256xf32>
    %add3A = arith.addf %get3A_44, %get3A_49 : vector<8x256xf32>
    %add3A_70 = arith.addf %get3A_54, %get3A_59 : vector<8x256xf32>
    %add3A_71 = arith.addf %add3A, %add3A_70 : vector<8x256xf32>
    %add3A_72 = arith.addf %get3A_64, %get3A_69 : vector<8x256xf32>
    %add3A_73 = arith.addf %add3A_71, %add3A_72 : vector<8x256xf32>
    %mul3A_74 = arith.mulf %tile3A, %get3A_44 : vector<8x256xf32>
    %sub3A = arith.subf %add3A_73, %get3A_44 : vector<8x256xf32>
    %mul3A_75 = arith.mulf %tile3A, %sub3A : vector<8x256xf32>
    %exp3A = math.exp %mul3A_74 : vector<8x256xf32>
    %add3A_76 = arith.addf %scan3A_36#0, %exp3A : vector<8x256xf32>
    %exp3A_77 = math.exp %mul3A_75 : vector<8x256xf32>
    %add3A_78 = arith.addf %add3A_76, %exp3A_77 : vector<8x256xf32>
    %mul3A_79 = arith.mulf %tile3A_17, %get3A_49 : vector<8x256xf32>
    %sub3A_80 = arith.subf %add3A_73, %get3A_49 : vector<8x256xf32>
    %mul3A_81 = arith.mulf %tile3A_17, %sub3A_80 : vector<8x256xf32>
    %exp3A_82 = math.exp %mul3A_79 : vector<8x256xf32>
    %add3A_83 = arith.addf %scan3A_36#1, %exp3A_82 : vector<8x256xf32>
    %exp3A_84 = math.exp %mul3A_81 : vector<8x256xf32>
    %add3A_85 = arith.addf %add3A_83, %exp3A_84 : vector<8x256xf32>
    %mul3A_86 = arith.mulf %tile3A_18, %get3A_54 : vector<8x256xf32>
    %sub3A_87 = arith.subf %add3A_73, %get3A_54 : vector<8x256xf32>
    %mul3A_88 = arith.mulf %tile3A_18, %sub3A_87 : vector<8x256xf32>
    %exp3A_89 = math.exp %mul3A_86 : vector<8x256xf32>
    %add3A_90 = arith.addf %scan3A_36#2, %exp3A_89 : vector<8x256xf32>
    %exp3A_91 = math.exp %mul3A_88 : vector<8x256xf32>
    %add3A_92 = arith.addf %add3A_90, %exp3A_91 : vector<8x256xf32>
    %mul3A_93 = arith.mulf %tile3A_19, %get3A_59 : vector<8x256xf32>
    %sub3A_94 = arith.subf %add3A_73, %get3A_59 : vector<8x256xf32>
    %mul3A_95 = arith.mulf %tile3A_19, %sub3A_94 : vector<8x256xf32>
    %exp3A_96 = math.exp %mul3A_93 : vector<8x256xf32>
    %add3A_97 = arith.addf %scan3A_36#3, %exp3A_96 : vector<8x256xf32>
    %exp3A_98 = math.exp %mul3A_95 : vector<8x256xf32>
    %add3A_99 = arith.addf %add3A_97, %exp3A_98 : vector<8x256xf32>
    %mul3A_100 = arith.mulf %tile3A_20, %get3A_64 : vector<8x256xf32>
    %sub3A_101 = arith.subf %add3A_73, %get3A_64 : vector<8x256xf32>
    %mul3A_102 = arith.mulf %tile3A_20, %sub3A_101 : vector<8x256xf32>
    %exp3A_103 = math.exp %mul3A_100 : vector<8x256xf32>
    %add3A_104 = arith.addf %scan3A_36#4, %exp3A_103 : vector<8x256xf32>
    %exp3A_105 = math.exp %mul3A_102 : vector<8x256xf32>
    %add3A_106 = arith.addf %add3A_104, %exp3A_105 : vector<8x256xf32>
    %mul3A_107 = arith.mulf %tile3A_21, %get3A_69 : vector<8x256xf32>
    %sub3A_108 = arith.subf %add3A_73, %get3A_69 : vector<8x256xf32>
    %mul3A_109 = arith.mulf %tile3A_21, %sub3A_108 : vector<8x256xf32>
    %exp3A_110 = math.exp %mul3A_107 : vector<8x256xf32>
    %add3A_111 = arith.addf %scan3A_36#5, %exp3A_110 : vector<8x256xf32>
    %exp3A_112 = math.exp %mul3A_109 : vector<8x256xf32>
    %add3A_113 = arith.addf %add3A_111, %exp3A_112 : vector<8x256xf32>
    %scan3A_114 = arith.constant 249 : i32
    %scan3A_115 = arith.addi %scan3A, %scan3A_114 : i32
    %mul3A_116 = arith.constant 8 : i32
    %mul3A_117 = arith.muli %scan3A_115, %mul3A_116 : i32
    %get3A_118 = arith.constant 0 : index
    %get3A_119 = arith.index_cast %mul3A_117 : i32 to index
    %get3A_120 = arith.constant 0 : index
    %get3A_121 = vector.load %arg1[%get3A_118, %get3A_119, %get3A_120] : memref<6x2000x256xf32, #tpu.memory_space<vmem>>, vector<1x8x256xf32>
    %get3A_122 = vector.shape_cast %get3A_121 : vector<1x8x256xf32> to vector<8x256xf32>
    %get3A_123 = arith.constant 1 : index
    %get3A_124 = arith.index_cast %mul3A_117 : i32 to index
    %get3A_125 = arith.constant 0 : index
    %get3A_126 = vector.load %arg1[%get3A_123, %get3A_124, %get3A_125] : memref<6x2000x256xf32, #tpu.memory_space<vmem>>, vector<1x8x256xf32>
    %get3A_127 = vector.shape_cast %get3A_126 : vector<1x8x256xf32> to vector<8x256xf32>
    %get3A_128 = arith.constant 2 : index
    %get3A_129 = arith.index_cast %mul3A_117 : i32 to index
    %get3A_130 = arith.constant 0 : index
    %get3A_131 = vector.load %arg1[%get3A_128, %get3A_129, %get3A_130] : memref<6x2000x256xf32, #tpu.memory_space<vmem>>, vector<1x8x256xf32>
    %get3A_132 = vector.shape_cast %get3A_131 : vector<1x8x256xf32> to vector<8x256xf32>
    %get3A_133 = arith.constant 3 : index
    %get3A_134 = arith.index_cast %mul3A_117 : i32 to index
    %get3A_135 = arith.constant 0 : index
    %get3A_136 = vector.load %arg1[%get3A_133, %get3A_134, %get3A_135] : memref<6x2000x256xf32, #tpu.memory_space<vmem>>, vector<1x8x256xf32>
    %get3A_137 = vector.shape_cast %get3A_136 : vector<1x8x256xf32> to vector<8x256xf32>
    %get3A_138 = arith.constant 4 : index
    %get3A_139 = arith.index_cast %mul3A_117 : i32 to index
    %get3A_140 = arith.constant 0 : index
    %get3A_141 = vector.load %arg1[%get3A_138, %get3A_139, %get3A_140] : memref<6x2000x256xf32, #tpu.memory_space<vmem>>, vector<1x8x256xf32>
    %get3A_142 = vector.shape_cast %get3A_141 : vector<1x8x256xf32> to vector<8x256xf32>
    %get3A_143 = arith.constant 5 : index
    %get3A_144 = arith.index_cast %mul3A_117 : i32 to index
    %get3A_145 = arith.constant 0 : index
    %get3A_146 = vector.load %arg1[%get3A_143, %get3A_144, %get3A_145] : memref<6x2000x256xf32, #tpu.memory_space<vmem>>, vector<1x8x256xf32>
    %get3A_147 = vector.shape_cast %get3A_146 : vector<1x8x256xf32> to vector<8x256xf32>
    %add3A_148 = arith.addf %get3A_122, %get3A_127 : vector<8x256xf32>
    %add3A_149 = arith.addf %get3A_132, %get3A_137 : vector<8x256xf32>
    %add3A_150 = arith.addf %add3A_148, %add3A_149 : vector<8x256xf32>
    %add3A_151 = arith.addf %get3A_142, %get3A_147 : vector<8x256xf32>
    %add3A_152 = arith.addf %add3A_150, %add3A_151 : vector<8x256xf32>
    %mul3A_153 = arith.mulf %tile3A, %get3A_122 : vector<8x256xf32>
    %sub3A_154 = arith.subf %add3A_152, %get3A_122 : vector<8x256xf32>
    %mul3A_155 = arith.mulf %tile3A, %sub3A_154 : vector<8x256xf32>
    %exp3A_156 = math.exp %mul3A_153 : vector<8x256xf32>
    %add3A_157 = arith.addf %add3A_78, %exp3A_156 : vector<8x256xf32>
    %exp3A_158 = math.exp %mul3A_155 : vector<8x256xf32>
    %add3A_159 = arith.addf %add3A_157, %exp3A_158 : vector<8x256xf32>
    %mul3A_160 = arith.mulf %tile3A_17, %get3A_127 : vector<8x256xf32>
    %sub3A_161 = arith.subf %add3A_152, %get3A_127 : vector<8x256xf32>
    %mul3A_162 = arith.mulf %tile3A_17, %sub3A_161 : vector<8x256xf32>
    %exp3A_163 = math.exp %mul3A_160 : vector<8x256xf32>
    %add3A_164 = arith.addf %add3A_85, %exp3A_163 : vector<8x256xf32>
    %exp3A_165 = math.exp %mul3A_162 : vector<8x256xf32>
    %add3A_166 = arith.addf %add3A_164, %exp3A_165 : vector<8x256xf32>
    %mul3A_167 = arith.mulf %tile3A_18, %get3A_132 : vector<8x256xf32>
    %sub3A_168 = arith.subf %add3A_152, %get3A_132 : vector<8x256xf32>
    %mul3A_169 = arith.mulf %tile3A_18, %sub3A_168 : vector<8x256xf32>
    %exp3A_170 = math.exp %mul3A_167 : vector<8x256xf32>
    %add3A_171 = arith.addf %add3A_92, %exp3A_170 : vector<8x256xf32>
    %exp3A_172 = math.exp %mul3A_169 : vector<8x256xf32>
    %add3A_173 = arith.addf %add3A_171, %exp3A_172 : vector<8x256xf32>
    %mul3A_174 = arith.mulf %tile3A_19, %get3A_137 : vector<8x256xf32>
    %sub3A_175 = arith.subf %add3A_152, %get3A_137 : vector<8x256xf32>
    %mul3A_176 = arith.mulf %tile3A_19, %sub3A_175 : vector<8x256xf32>
    %exp3A_177 = math.exp %mul3A_174 : vector<8x256xf32>
    %add3A_178 = arith.addf %add3A_99, %exp3A_177 : vector<8x256xf32>
    %exp3A_179 = math.exp %mul3A_176 : vector<8x256xf32>
    %add3A_180 = arith.addf %add3A_178, %exp3A_179 : vector<8x256xf32>
    %mul3A_181 = arith.mulf %tile3A_20, %get3A_142 : vector<8x256xf32>
    %sub3A_182 = arith.subf %add3A_152, %get3A_142 : vector<8x256xf32>
    %mul3A_183 = arith.mulf %tile3A_20, %sub3A_182 : vector<8x256xf32>
    %exp3A_184 = math.exp %mul3A_181 : vector<8x256xf32>
    %add3A_185 = arith.addf %add3A_106, %exp3A_184 : vector<8x256xf32>
    %exp3A_186 = math.exp %mul3A_183 : vector<8x256xf32>
    %add3A_187 = arith.addf %add3A_185, %exp3A_186 : vector<8x256xf32>
    %mul3A_188 = arith.mulf %tile3A_21, %get3A_147 : vector<8x256xf32>
    %sub3A_189 = arith.subf %add3A_152, %get3A_147 : vector<8x256xf32>
    %mul3A_190 = arith.mulf %tile3A_21, %sub3A_189 : vector<8x256xf32>
    %exp3A_191 = math.exp %mul3A_188 : vector<8x256xf32>
    %add3A_192 = arith.addf %add3A_113, %exp3A_191 : vector<8x256xf32>
    %exp3A_193 = math.exp %mul3A_190 : vector<8x256xf32>
    %add3A_194 = arith.addf %add3A_192, %exp3A_193 : vector<8x256xf32>
    %scan3A_195 = arith.constant 250 : i32
    %reduce_sum3A = arith.constant dense<0.000000e+00> : vector<256xf32>
    %reduce_sum3A_196 = vector.multi_reduction <add>, %add3A_159, %reduce_sum3A [0] : vector<8x256xf32> to vector<256xf32>
    %broadcast_in_dim3A_197 = vector.shape_cast %reduce_sum3A_196 : vector<256xf32> to vector<1x256xf32>
    %eq3A = arith.constant 0 : i32
    %eq3A_198 = arith.cmpi eq, %arg0, %eq3A : i32
    %convert_element_type3A = arith.extui %eq3A_198 : i1 to i32
    %cond3A = arith.constant 0 : i32
    %cond3A_199 = arith.cmpi ne, %convert_element_type3A, %cond3A : i32
    scf.if %cond3A_199 {
      %swap3A = arith.constant 0 : index
      %swap3A_274 = arith.constant 0 : index
      %swap3A_275 = vector.load %arg5[%swap3A, %swap3A_274] : memref<6x256xf32, #tpu.memory_space<vmem>>, vector<1x256xf32>
      tpu.vector_store %arg5[%swap3A, %swap3A_274], %broadcast_in_dim3A_197 {strides = array<i32>} : memref<6x256xf32, #tpu.memory_space<vmem>>, vector<1x256xf32>,
      %get3A_276 = arith.constant 0 : index
      %get3A_277 = arith.constant 0 : index
      %get3A_278 = arith.constant 0 : index
      %get3A_279 = vector.load %arg1[%get3A_276, %get3A_277, %get3A_278] : memref<6x2000x256xf32, #tpu.memory_space<vmem>>, vector<1x1x256xf32>
      %get3A_280 = vector.shape_cast %get3A_279 : vector<1x1x256xf32> to vector<1x256xf32>
      %mul3A_281 = arith.mulf %get3A_1, %get3A_280 : vector<1x256xf32>
      %swap3A_282 = arith.constant 0 : index
      %swap3A_283 = arith.constant 0 : index
      %swap3A_284 = vector.load %arg6[%swap3A_282, %swap3A_283] : memref<6x256xf32, #tpu.memory_space<vmem>>, vector<1x256xf32>
      tpu.vector_store %arg6[%swap3A_282, %swap3A_283], %mul3A_281 {strides = array<i32>} : memref<6x256xf32, #tpu.memory_space<vmem>>, vector<1x256xf32>,
    } else {
    }
    %gt3A = arith.constant 0 : i32
    %gt3A_200 = arith.cmpi sgt, %arg0, %gt3A : i32
    %convert_element_type3A_201 = arith.extui %gt3A_200 : i1 to i32
    %cond3A_202 = arith.constant 0 : i32
    %cond3A_203 = arith.cmpi ne, %convert_element_type3A_201, %cond3A_202 : i32
    scf.if %cond3A_203 {
      %get3A_274 = arith.constant 0 : index
      %get3A_275 = arith.constant 0 : index
      %get3A_276 = vector.load %arg5[%get3A_274, %get3A_275] : memref<6x256xf32, #tpu.memory_space<vmem>>, vector<1x256xf32>
      %add3A_277 = arith.addf %get3A_276, %broadcast_in_dim3A_197 : vector<1x256xf32>
      %swap3A = arith.constant 0 : index
      %swap3A_278 = arith.constant 0 : index
      %swap3A_279 = vector.load %arg5[%swap3A, %swap3A_278] : memref<6x256xf32, #tpu.memory_space<vmem>>, vector<1x256xf32>
      tpu.vector_store %arg5[%swap3A, %swap3A_278], %add3A_277 {strides = array<i32>} : memref<6x256xf32, #tpu.memory_space<vmem>>, vector<1x256xf32>,
    } else {
    }
    %reduce_sum3A_204 = arith.constant dense<0.000000e+00> : vector<256xf32>
    %reduce_sum3A_205 = vector.multi_reduction <add>, %add3A_166, %reduce_sum3A_204 [0] : vector<8x256xf32> to vector<256xf32>
    %broadcast_in_dim3A_206 = vector.shape_cast %reduce_sum3A_205 : vector<256xf32> to vector<1x256xf32>
    %eq3A_207 = arith.constant 0 : i32
    %eq3A_208 = arith.cmpi eq, %arg0, %eq3A_207 : i32
    %convert_element_type3A_209 = arith.extui %eq3A_208 : i1 to i32
    %cond3A_210 = arith.constant 0 : i32
    %cond3A_211 = arith.cmpi ne, %convert_element_type3A_209, %cond3A_210 : i32
    scf.if %cond3A_211 {
      %swap3A = arith.constant 1 : index
      %swap3A_274 = arith.constant 0 : index
      %swap3A_275 = vector.load %arg5[%swap3A, %swap3A_274] : memref<6x256xf32, #tpu.memory_space<vmem>>, vector<1x256xf32>
      tpu.vector_store %arg5[%swap3A, %swap3A_274], %broadcast_in_dim3A_206 {strides = array<i32>} : memref<6x256xf32, #tpu.memory_space<vmem>>, vector<1x256xf32>,
      %get3A_276 = arith.constant 1 : index
      %get3A_277 = arith.constant 0 : index
      %get3A_278 = arith.constant 0 : index
      %get3A_279 = vector.load %arg1[%get3A_276, %get3A_277, %get3A_278] : memref<6x2000x256xf32, #tpu.memory_space<vmem>>, vector<1x1x256xf32>
      %get3A_280 = vector.shape_cast %get3A_279 : vector<1x1x256xf32> to vector<1x256xf32>
      %mul3A_281 = arith.mulf %get3A_4, %get3A_280 : vector<1x256xf32>
      %swap3A_282 = arith.constant 1 : index
      %swap3A_283 = arith.constant 0 : index
      %swap3A_284 = vector.load %arg6[%swap3A_282, %swap3A_283] : memref<6x256xf32, #tpu.memory_space<vmem>>, vector<1x256xf32>
      tpu.vector_store %arg6[%swap3A_282, %swap3A_283], %mul3A_281 {strides = array<i32>} : memref<6x256xf32, #tpu.memory_space<vmem>>, vector<1x256xf32>,
    } else {
    }
    %gt3A_212 = arith.constant 0 : i32
    %gt3A_213 = arith.cmpi sgt, %arg0, %gt3A_212 : i32
    %convert_element_type3A_214 = arith.extui %gt3A_213 : i1 to i32
    %cond3A_215 = arith.constant 0 : i32
    %cond3A_216 = arith.cmpi ne, %convert_element_type3A_214, %cond3A_215 : i32
    scf.if %cond3A_216 {
      %get3A_274 = arith.constant 1 : index
      %get3A_275 = arith.constant 0 : index
      %get3A_276 = vector.load %arg5[%get3A_274, %get3A_275] : memref<6x256xf32, #tpu.memory_space<vmem>>, vector<1x256xf32>
      %add3A_277 = arith.addf %get3A_276, %broadcast_in_dim3A_206 : vector<1x256xf32>
      %swap3A = arith.constant 1 : index
      %swap3A_278 = arith.constant 0 : index
      %swap3A_279 = vector.load %arg5[%swap3A, %swap3A_278] : memref<6x256xf32, #tpu.memory_space<vmem>>, vector<1x256xf32>
      tpu.vector_store %arg5[%swap3A, %swap3A_278], %add3A_277 {strides = array<i32>} : memref<6x256xf32, #tpu.memory_space<vmem>>, vector<1x256xf32>,
    } else {
    }
    %reduce_sum3A_217 = arith.constant dense<0.000000e+00> : vector<256xf32>
    %reduce_sum3A_218 = vector.multi_reduction <add>, %add3A_173, %reduce_sum3A_217 [0] : vector<8x256xf32> to vector<256xf32>
    %broadcast_in_dim3A_219 = vector.shape_cast %reduce_sum3A_218 : vector<256xf32> to vector<1x256xf32>
    %eq3A_220 = arith.constant 0 : i32
    %eq3A_221 = arith.cmpi eq, %arg0, %eq3A_220 : i32
    %convert_element_type3A_222 = arith.extui %eq3A_221 : i1 to i32
    %cond3A_223 = arith.constant 0 : i32
    %cond3A_224 = arith.cmpi ne, %convert_element_type3A_222, %cond3A_223 : i32
    scf.if %cond3A_224 {
      %swap3A = arith.constant 2 : index
      %swap3A_274 = arith.constant 0 : index
      %swap3A_275 = vector.load %arg5[%swap3A, %swap3A_274] : memref<6x256xf32, #tpu.memory_space<vmem>>, vector<1x256xf32>
      tpu.vector_store %arg5[%swap3A, %swap3A_274], %broadcast_in_dim3A_219 {strides = array<i32>} : memref<6x256xf32, #tpu.memory_space<vmem>>, vector<1x256xf32>,
      %get3A_276 = arith.constant 2 : index
      %get3A_277 = arith.constant 0 : index
      %get3A_278 = arith.constant 0 : index
      %get3A_279 = vector.load %arg1[%get3A_276, %get3A_277, %get3A_278] : memref<6x2000x256xf32, #tpu.memory_space<vmem>>, vector<1x1x256xf32>
      %get3A_280 = vector.shape_cast %get3A_279 : vector<1x1x256xf32> to vector<1x256xf32>
      %mul3A_281 = arith.mulf %get3A_7, %get3A_280 : vector<1x256xf32>
      %swap3A_282 = arith.constant 2 : index
      %swap3A_283 = arith.constant 0 : index
      %swap3A_284 = vector.load %arg6[%swap3A_282, %swap3A_283] : memref<6x256xf32, #tpu.memory_space<vmem>>, vector<1x256xf32>
      tpu.vector_store %arg6[%swap3A_282, %swap3A_283], %mul3A_281 {strides = array<i32>} : memref<6x256xf32, #tpu.memory_space<vmem>>, vector<1x256xf32>,
    } else {
    }
    %gt3A_225 = arith.constant 0 : i32
    %gt3A_226 = arith.cmpi sgt, %arg0, %gt3A_225 : i32
    %convert_element_type3A_227 = arith.extui %gt3A_226 : i1 to i32
    %cond3A_228 = arith.constant 0 : i32
    %cond3A_229 = arith.cmpi ne, %convert_element_type3A_227, %cond3A_228 : i32
    scf.if %cond3A_229 {
      %get3A_274 = arith.constant 2 : index
      %get3A_275 = arith.constant 0 : index
      %get3A_276 = vector.load %arg5[%get3A_274, %get3A_275] : memref<6x256xf32, #tpu.memory_space<vmem>>, vector<1x256xf32>
      %add3A_277 = arith.addf %get3A_276, %broadcast_in_dim3A_219 : vector<1x256xf32>
      %swap3A = arith.constant 2 : index
      %swap3A_278 = arith.constant 0 : index
      %swap3A_279 = vector.load %arg5[%swap3A, %swap3A_278] : memref<6x256xf32, #tpu.memory_space<vmem>>, vector<1x256xf32>
      tpu.vector_store %arg5[%swap3A, %swap3A_278], %add3A_277 {strides = array<i32>} : memref<6x256xf32, #tpu.memory_space<vmem>>, vector<1x256xf32>,
    } else {
    }
    %reduce_sum3A_230 = arith.constant dense<0.000000e+00> : vector<256xf32>
    %reduce_sum3A_231 = vector.multi_reduction <add>, %add3A_180, %reduce_sum3A_230 [0] : vector<8x256xf32> to vector<256xf32>
    %broadcast_in_dim3A_232 = vector.shape_cast %reduce_sum3A_231 : vector<256xf32> to vector<1x256xf32>
    %eq3A_233 = arith.constant 0 : i32
    %eq3A_234 = arith.cmpi eq, %arg0, %eq3A_233 : i32
    %convert_element_type3A_235 = arith.extui %eq3A_234 : i1 to i32
    %cond3A_236 = arith.constant 0 : i32
    %cond3A_237 = arith.cmpi ne, %convert_element_type3A_235, %cond3A_236 : i32
    scf.if %cond3A_237 {
      %swap3A = arith.constant 3 : index
      %swap3A_274 = arith.constant 0 : index
      %swap3A_275 = vector.load %arg5[%swap3A, %swap3A_274] : memref<6x256xf32, #tpu.memory_space<vmem>>, vector<1x256xf32>
      tpu.vector_store %arg5[%swap3A, %swap3A_274], %broadcast_in_dim3A_232 {strides = array<i32>} : memref<6x256xf32, #tpu.memory_space<vmem>>, vector<1x256xf32>,
      %get3A_276 = arith.constant 3 : index
      %get3A_277 = arith.constant 0 : index
      %get3A_278 = arith.constant 0 : index
      %get3A_279 = vector.load %arg1[%get3A_276, %get3A_277, %get3A_278] : memref<6x2000x256xf32, #tpu.memory_space<vmem>>, vector<1x1x256xf32>
      %get3A_280 = vector.shape_cast %get3A_279 : vector<1x1x256xf32> to vector<1x256xf32>
      %mul3A_281 = arith.mulf %get3A_10, %get3A_280 : vector<1x256xf32>
      %swap3A_282 = arith.constant 3 : index
      %swap3A_283 = arith.constant 0 : index
      %swap3A_284 = vector.load %arg6[%swap3A_282, %swap3A_283] : memref<6x256xf32, #tpu.memory_space<vmem>>, vector<1x256xf32>
      tpu.vector_store %arg6[%swap3A_282, %swap3A_283], %mul3A_281 {strides = array<i32>} : memref<6x256xf32, #tpu.memory_space<vmem>>, vector<1x256xf32>,
    } else {
    }
    %gt3A_238 = arith.constant 0 : i32
    %gt3A_239 = arith.cmpi sgt, %arg0, %gt3A_238 : i32
    %convert_element_type3A_240 = arith.extui %gt3A_239 : i1 to i32
    %cond3A_241 = arith.constant 0 : i32
    %cond3A_242 = arith.cmpi ne, %convert_element_type3A_240, %cond3A_241 : i32
    scf.if %cond3A_242 {
      %get3A_274 = arith.constant 3 : index
      %get3A_275 = arith.constant 0 : index
      %get3A_276 = vector.load %arg5[%get3A_274, %get3A_275] : memref<6x256xf32, #tpu.memory_space<vmem>>, vector<1x256xf32>
      %add3A_277 = arith.addf %get3A_276, %broadcast_in_dim3A_232 : vector<1x256xf32>
      %swap3A = arith.constant 3 : index
      %swap3A_278 = arith.constant 0 : index
      %swap3A_279 = vector.load %arg5[%swap3A, %swap3A_278] : memref<6x256xf32, #tpu.memory_space<vmem>>, vector<1x256xf32>
      tpu.vector_store %arg5[%swap3A, %swap3A_278], %add3A_277 {strides = array<i32>} : memref<6x256xf32, #tpu.memory_space<vmem>>, vector<1x256xf32>,
    } else {
    }
    %reduce_sum3A_243 = arith.constant dense<0.000000e+00> : vector<256xf32>
    %reduce_sum3A_244 = vector.multi_reduction <add>, %add3A_187, %reduce_sum3A_243 [0] : vector<8x256xf32> to vector<256xf32>
    %broadcast_in_dim3A_245 = vector.shape_cast %reduce_sum3A_244 : vector<256xf32> to vector<1x256xf32>
    %eq3A_246 = arith.constant 0 : i32
    %eq3A_247 = arith.cmpi eq, %arg0, %eq3A_246 : i32
    %convert_element_type3A_248 = arith.extui %eq3A_247 : i1 to i32
    %cond3A_249 = arith.constant 0 : i32
    %cond3A_250 = arith.cmpi ne, %convert_element_type3A_248, %cond3A_249 : i32
    scf.if %cond3A_250 {
      %swap3A = arith.constant 4 : index
      %swap3A_274 = arith.constant 0 : index
      %swap3A_275 = vector.load %arg5[%swap3A, %swap3A_274] : memref<6x256xf32, #tpu.memory_space<vmem>>, vector<1x256xf32>
      tpu.vector_store %arg5[%swap3A, %swap3A_274], %broadcast_in_dim3A_245 {strides = array<i32>} : memref<6x256xf32, #tpu.memory_space<vmem>>, vector<1x256xf32>,
      %get3A_276 = arith.constant 4 : index
      %get3A_277 = arith.constant 0 : index
      %get3A_278 = arith.constant 0 : index
      %get3A_279 = vector.load %arg1[%get3A_276, %get3A_277, %get3A_278] : memref<6x2000x256xf32, #tpu.memory_space<vmem>>, vector<1x1x256xf32>
      %get3A_280 = vector.shape_cast %get3A_279 : vector<1x1x256xf32> to vector<1x256xf32>
      %mul3A_281 = arith.mulf %get3A_13, %get3A_280 : vector<1x256xf32>
      %swap3A_282 = arith.constant 4 : index
      %swap3A_283 = arith.constant 0 : index
      %swap3A_284 = vector.load %arg6[%swap3A_282, %swap3A_283] : memref<6x256xf32, #tpu.memory_space<vmem>>, vector<1x256xf32>
      tpu.vector_store %arg6[%swap3A_282, %swap3A_283], %mul3A_281 {strides = array<i32>} : memref<6x256xf32, #tpu.memory_space<vmem>>, vector<1x256xf32>,
    } else {
    }
    %gt3A_251 = arith.constant 0 : i32
    %gt3A_252 = arith.cmpi sgt, %arg0, %gt3A_251 : i32
    %convert_element_type3A_253 = arith.extui %gt3A_252 : i1 to i32
    %cond3A_254 = arith.constant 0 : i32
    %cond3A_255 = arith.cmpi ne, %convert_element_type3A_253, %cond3A_254 : i32
    scf.if %cond3A_255 {
      %get3A_274 = arith.constant 4 : index
      %get3A_275 = arith.constant 0 : index
      %get3A_276 = vector.load %arg5[%get3A_274, %get3A_275] : memref<6x256xf32, #tpu.memory_space<vmem>>, vector<1x256xf32>
      %add3A_277 = arith.addf %get3A_276, %broadcast_in_dim3A_245 : vector<1x256xf32>
      %swap3A = arith.constant 4 : index
      %swap3A_278 = arith.constant 0 : index
      %swap3A_279 = vector.load %arg5[%swap3A, %swap3A_278] : memref<6x256xf32, #tpu.memory_space<vmem>>, vector<1x256xf32>
      tpu.vector_store %arg5[%swap3A, %swap3A_278], %add3A_277 {strides = array<i32>} : memref<6x256xf32, #tpu.memory_space<vmem>>, vector<1x256xf32>,
    } else {
    }
    %reduce_sum3A_256 = arith.constant dense<0.000000e+00> : vector<256xf32>
    %reduce_sum3A_257 = vector.multi_reduction <add>, %add3A_194, %reduce_sum3A_256 [0] : vector<8x256xf32> to vector<256xf32>
    %broadcast_in_dim3A_258 = vector.shape_cast %reduce_sum3A_257 : vector<256xf32> to vector<1x256xf32>
    %eq3A_259 = arith.constant 0 : i32
    %eq3A_260 = arith.cmpi eq, %arg0, %eq3A_259 : i32
    %convert_element_type3A_261 = arith.extui %eq3A_260 : i1 to i32
    %cond3A_262 = arith.constant 0 : i32
    %cond3A_263 = arith.cmpi ne, %convert_element_type3A_261, %cond3A_262 : i32
    scf.if %cond3A_263 {
      %swap3A = arith.constant 5 : index
      %swap3A_274 = arith.constant 0 : index
      %swap3A_275 = vector.load %arg5[%swap3A, %swap3A_274] : memref<6x256xf32, #tpu.memory_space<vmem>>, vector<1x256xf32>
      tpu.vector_store %arg5[%swap3A, %swap3A_274], %broadcast_in_dim3A_258 {strides = array<i32>} : memref<6x256xf32, #tpu.memory_space<vmem>>, vector<1x256xf32>,
      %get3A_276 = arith.constant 5 : index
      %get3A_277 = arith.constant 0 : index
      %get3A_278 = arith.constant 0 : index
      %get3A_279 = vector.load %arg1[%get3A_276, %get3A_277, %get3A_278] : memref<6x2000x256xf32, #tpu.memory_space<vmem>>, vector<1x1x256xf32>
      %get3A_280 = vector.shape_cast %get3A_279 : vector<1x1x256xf32> to vector<1x256xf32>
      %mul3A_281 = arith.mulf %get3A_16, %get3A_280 : vector<1x256xf32>
      %swap3A_282 = arith.constant 5 : index
      %swap3A_283 = arith.constant 0 : index
      %swap3A_284 = vector.load %arg6[%swap3A_282, %swap3A_283] : memref<6x256xf32, #tpu.memory_space<vmem>>, vector<1x256xf32>
      tpu.vector_store %arg6[%swap3A_282, %swap3A_283], %mul3A_281 {strides = array<i32>} : memref<6x256xf32, #tpu.memory_space<vmem>>, vector<1x256xf32>,
    } else {
    }
    %gt3A_264 = arith.constant 0 : i32
    %gt3A_265 = arith.cmpi sgt, %arg0, %gt3A_264 : i32
    %convert_element_type3A_266 = arith.extui %gt3A_265 : i1 to i32
    %cond3A_267 = arith.constant 0 : i32
    %cond3A_268 = arith.cmpi ne, %convert_element_type3A_266, %cond3A_267 : i32
    scf.if %cond3A_268 {
      %get3A_274 = arith.constant 5 : index
      %get3A_275 = arith.constant 0 : index
      %get3A_276 = vector.load %arg5[%get3A_274, %get3A_275] : memref<6x256xf32, #tpu.memory_space<vmem>>, vector<1x256xf32>
      %add3A_277 = arith.addf %get3A_276, %broadcast_in_dim3A_258 : vector<1x256xf32>
      %swap3A = arith.constant 5 : index
      %swap3A_278 = arith.constant 0 : index
      %swap3A_279 = vector.load %arg5[%swap3A, %swap3A_278] : memref<6x256xf32, #tpu.memory_space<vmem>>, vector<1x256xf32>
      tpu.vector_store %arg5[%swap3A, %swap3A_278], %add3A_277 {strides = array<i32>} : memref<6x256xf32, #tpu.memory_space<vmem>>, vector<1x256xf32>,
    } else {
    }
    %eq3A_269 = arith.constant 24 : i32
    %eq3A_270 = arith.cmpi eq, %arg0, %eq3A_269 : i32
    %convert_element_type3A_271 = arith.extui %eq3A_270 : i1 to i32
    %cond3A_272 = arith.constant 0 : i32
    %cond3A_273 = arith.cmpi ne, %convert_element_type3A_271, %cond3A_272 : i32
    scf.if %cond3A_273 {
      %get3A_274 = arith.constant 0 : index
      %get3A_275 = arith.constant 0 : index
      %get3A_276 = vector.load %arg5[%get3A_274, %get3A_275] : memref<6x256xf32, #tpu.memory_space<vmem>>, vector<6x256xf32>
      %log3A = math.log %get3A_276 : vector<6x256xf32>
      %get3A_277 = arith.constant 0 : index
      %get3A_278 = arith.constant 0 : index
      %get3A_279 = vector.load %arg6[%get3A_277, %get3A_278] : memref<6x256xf32, #tpu.memory_space<vmem>>, vector<6x256xf32>
      %sub3A_280 = arith.subf %log3A, %get3A_279 : vector<6x256xf32>
      %reduce_sum3A_281 = arith.constant dense<0.000000e+00> : vector<6xf32>
      %reduce_sum3A_282 = vector.multi_reduction <add>, %sub3A_280, %reduce_sum3A_281 [1] : vector<6x256xf32> to vector<6xf32>
      %broadcast_in_dim3A_283 = vector.shape_cast %reduce_sum3A_282 : vector<6xf32> to vector<6x1xf32>
      %div3A = arith.constant 2.560000e+02 : f32
      %div3A_284 = vector.broadcast %div3A : f32 to vector<6x1xf32>
      %div3A_285 = arith.divf %broadcast_in_dim3A_283, %div3A_284 : vector<6x1xf32>
      %get3A_286 = arith.constant 0 : index
      %get3A_287 = arith.constant 0 : index
      %get3A_288 = vector.load %arg3[%get3A_286, %get3A_287] : memref<6x1xf32, #tpu.memory_space<vmem>>, vector<6x1xf32>
      %gt3A_289 = arith.constant 0.000000e+00 : f32
      %gt3A_290 = vector.broadcast %gt3A_289 : f32 to vector<6x1xf32>
      %gt3A_291 = arith.cmpf ogt, %get3A_288, %gt3A_290 : vector<6x1xf32>
      %jit3A = arith.constant 0.000000e+00 : f32
      %broadcast_in_dim3A_292 = vector.broadcast %jit3A : f32 to vector<6x1xf32>
      %select_n3A = arith.select %gt3A_291, %div3A_285, %broadcast_in_dim3A_292 : vector<6x1xi1>, vector<6x1xf32>
      %reduce_sum3A_293 = arith.constant dense<0.000000e+00> : vector<1xf32>
      %reduce_sum3A_294 = vector.multi_reduction <add>, %select_n3A, %reduce_sum3A_293 [0] : vector<6x1xf32> to vector<1xf32>
      %broadcast_in_dim3A_295 = vector.shape_cast %reduce_sum3A_294 : vector<1xf32> to vector<1x1xf32>
      %swap3A = arith.constant 0 : index
      %swap3A_296 = arith.constant 0 : index
      %swap3A_297 = vector.load %arg4[%swap3A, %swap3A_296] : memref<1x1xf32, #tpu.memory_space<vmem>>, vector<1x1xf32>
      tpu.vector_store %arg4[%swap3A, %swap3A_296], %broadcast_in_dim3A_295 {strides = array<i32>} : memref<1x1xf32, #tpu.memory_space<vmem>>, vector<1x1xf32>,
    } else {
    }
    return
  }
  func.func @transform_0(%arg0: i32) -> (i32, i32, i32) {
    %c0_i32 = arith.constant 0 : i32
    %c0_i32_0 = arith.constant 0 : i32
    %c0_i32_1 = arith.constant 0 : i32
    return %c0_i32, %arg0, %c0_i32_0 : i32, i32, i32
  }
  func.func @transform_1(%arg0: i32) -> (i32, i32) {
    %c0_i32 = arith.constant 0 : i32
    %c0_i32_0 = arith.constant 0 : i32
    %c0_i32_1 = arith.constant 0 : i32
    return %c0_i32, %c0_i32_0 : i32, i32
  }
  func.func @transform_2(%arg0: i32) -> (i32, i32) {
    %c0_i32 = arith.constant 0 : i32
    %c0_i32_0 = arith.constant 0 : i32
    %c0_i32_1 = arith.constant 0 : i32
    return %c0_i32, %c0_i32_0 : i32, i32
  }
  func.func @transform_3(%arg0: i32) -> (i32, i32) {
    %c0_i32 = arith.constant 0 : i32
    %c0_i32_0 = arith.constant 0 : i32
    %c0_i32_1 = arith.constant 0 : i32
    return %c0_i32, %c0_i32_0 : i32, i32
  }
}

</mosaic_0001>

<sc_bundles>
// kernel: kernel.5.cloned.1.call-start
scs
__scs_entry_jumppad:
0x0: {  	(pc) =	sbr.rel $0x88, $3  }
0x1: {  	(tag) =	ssettag $0x0;
	lr =	simm.s32 $0x1  }
0x2: {  	[smem:$0x3F9E] =	sst lr;
	_ =	strace $0xD0000000  }
0x3: {  	_ = 	snop  }
0x4: {  	_ = 	snop  }
0x5: {  	_ = 	snop  }
0x6: {  	_ = 	snop  }
0x7: {  	_ = 	snop  }
__scs_overlays_trampoline_lowered:
0x8: {  	[smem:$0x3FAD] =	sst s0  }
0x9: {  	[smem:$0x3FAE] =	sst s1  }
0xa: {  	[smem:$0x3FAF] =	sst s2  }
0xb: {  	[smem:$0x3FB0] =	sst s3  }
0xc: {  	[smem:$0x3FB1] =	sst s4  }
0xd: {  	[smem:$0x3FB2] =	sst s5  }
0xe: {  	[smem:$0x3FB3] =	sst s6  }
0xf: {  	[smem:$0x3FB4] =	sst s7  }
0x10: {  	[smem:$0x3FB5] =	sst s8  }
0x11: {  	[smem:$0x3FB6] =	sst s9;
	s0 =	simm.s32 @!p0 $0x0  }
0x12: {  	s1 =	sld [smem:$0x3F9C];
	s0 =	simm.s32 @p0 $0x1  }
0x13: {  	[smem:$0x3FB7] =	sst s0;
	s0 =	simm.s32 @!p1 $0x0  }
0x14: {  	s2 =	sld [smem:$0x3F9B];
	s0 =	simm.s32 @p1 $0x1  }
0x15: {  	[smem:$0x3FB8] =	sst s0;
	s0 =	simm.s32 @!p2 $0x0  }
0x16: {  	s3 =	sld [smem:$0x3FDB];
	s0 =	simm.s32 @p2 $0x1  }
0x17: {  	s4 =	simm.s32 $0x1BF5;
	[smem:$0x3FBA] =	sst s0  }
0x18: {  	s0 =	sld [smem:$0x3F9D];
	_ =	swait.ge [sflag:s4], $0x0  }
0x19: {  	s7 =	sld [smem:$0x3F9E]  }
0x1a: {  	s8 =	sadd.s32 $0xFFFFE003, lr  }
0x1b: {  	s9 =	sadd.s32 $0xFFFFFEF7, lr;
	s5 =	simm.s32 $0xFFFFFFFF;
	p2 =	slt.u32 s8, $0xFFFFF086  }
0x1c: {  	p1 =	slt.u32 s9, $0xF7A;
	s5 =	simm.s32 @!p2 $0x0  }
0x1d: {  	s5 =	simm.s32 @p1 $0x1;
	p0 =	seq.s32 s7, s2  }
0x1e: {  	s7 =	smul.u32 @!p0 $0xF7A, s2;
	p2 =	seq.s32 @!p0 s5, $0x0  }
0x1f: {  	s9 =	smul.u32 $0xF7A, s1;
	s8 =	simm.s32 @!p0 $0x1BF5;
	p2 =	por !p2, p0  }
0x20: {  	[sflag:s8] =	ssyncset.s32 @!p0 $0xFFFFF086;
	s6 =	sadd.s32 @!p0 s3, s7;
	s7 =	simm.s32 @!p0 $0x108  }
0x21: {  	s3 =	sadd.s32 s3, s9;
	s6 =	sadd.s32 @!p0 $0x88, s6;
	s7 =	simm.s32 @p2 $0x1082  }
0x22: {  	[simem:s7], [sflag:s8] =	dma.local @!p0 [hbm:s6], $0xF7A  }
0x23: {  	s9 =	sor.u32 $0xD0000000, s2;
	s6 =	simm.s32 $0x108;
	_ =	swait.ge @!p0 [sflag:s8], $0x0  }
0x24: {  	s3 =	sadd.s32 $0x88, s3;
	s6 =	simm.s32 @!p1 $0x1082;
	[sflag:s4] =	ssyncset.s32 $0xFFFFF086  }
0x25: {  	[simem:s6], [sflag:s4] =	dma.local [hbm:s3], $0xF7A  }
0x26: {  	[smem:$0x3F9E] =	sst s1;
	(tag) =	ssettag s2;
	_ =	strace s9  }
0x27: {  	s1 =	sld [smem:$0x3FAE]  }
0x28: {  	s2 =	sld [smem:$0x3FAF]  }
0x29: {  	s4 =	sld [smem:$0x3FB1]  }
0x2a: {  	p0 =	seq.s32 s5, $0x0;
	s5 =	sld [smem:$0x3FB2]  }
0x2b: {  	s6 =	sld [smem:$0x3FB3]  }
0x2c: {  	s7 =	sld [smem:$0x3FB4]  }
0x2d: {  	s3 =	simm.s32 $0x108;
	s8 =	sld [smem:$0x3FB5]  }
0x2e: {  	s3 =	simm.s32 @!p0 $0x1082;
	s9 =	sld [smem:$0x3FB6]  }
0x2f: {  	lr =	sadd.s32 s0, s3;
	s0 =	sld [smem:$0x3FAD]  }
0x30: {  	s3 =	sld [smem:$0x3FB0]  }
0x31: {  	[smem:$0x3FB9] =	sst s10  }
0x32: {  	s10 =	sld [smem:$0x3FB7];
	_ =	sdelay $0x3  }
0x33: {  	p0 =	seq.s32 s10, $0x1;
	s10 =	sld [smem:$0x3FB9];
	_ =	sdelay $0x3  }
0x34: {  	[smem:$0x3FB9] =	sst s10  }
0x35: {  	s10 =	sld [smem:$0x3FB8];
	_ =	sdelay $0x3  }
0x36: {  	p1 =	seq.s32 s10, $0x1;
	s10 =	sld [smem:$0x3FB9];
	_ =	sdelay $0x3  }
0x37: {  	[smem:$0x3FB9] =	sst s10  }
0x38: {  	s10 =	sld [smem:$0x3FBA]  }
0x39: {  	_ = 	snop;
	(pc) =	sbr.ind lr, $3  }
0x3a: {  	_ = 	snop  }
0x3b: {  	_ = 	snop  }
0x3c: {  	p2 =	seq.s32 s10, $0x1;
	s10 =	sld [smem:$0x3FB9]  }
0x3d: {  	_ =	shalt  }
0x3e: {  	_ =	shalt  }
0x3f: {  	_ =	shalt  }
0x40: {  	_ =	shalt  }
0x41: {  	_ =	shalt  }
0x42: {  	_ =	shalt  }
0x43: {  	_ =	shalt  }
0x44: {  	_ =	shalt  }
0x45: {  	_ =	shalt  }
0x46: {  	_ =	shalt  }
0x47: {  	_ =	shalt  }
0x48: {  	_ =	shalt  }
0x49: {  	_ =	shalt  }
0x4a: {  	_ =	shalt  }
0x4b: {  	_ =	shalt  }
0x4c: {  	_ =	shalt  }
0x4d: {  	_ =	shalt  }
0x4e: {  	_ =	shalt  }
0x4f: {  	_ =	shalt  }
0x50: {  	_ =	shalt  }
0x51: {  	_ =	shalt  }
0x52: {  	_ =	shalt  }
0x53: {  	_ =	shalt  }
0x54: {  	_ =	shalt  }
0x55: {  	_ =	shalt  }
0x56: {  	_ =	shalt  }
0x57: {  	_ =	shalt  }
0x58: {  	_ =	shalt  }
0x59: {  	_ =	shalt  }
0x5a: {  	_ =	shalt  }
0x5b: {  	_ =	shalt  }
0x5c: {  	_ =	shalt  }
0x5d: {  	_ =	shalt  }
0x5e: {  	_ =	shalt  }
0x5f: {  	_ =	shalt  }
0x60: {  	_ =	shalt  }
0x61: {  	_ =	shalt  }
0x62: {  	_ =	shalt  }
0x63: {  	_ =	shalt  }
0x64: {  	_ =	shalt  }
0x65: {  	_ =	shalt  }
0x66: {  	_ =	shalt  }
0x67: {  	_ =	shalt  }
0x68: {  	_ =	shalt  }
0x69: {  	_ =	shalt  }
0x6a: {  	_ =	shalt  }
0x6b: {  	_ =	shalt  }
0x6c: {  	_ =	shalt  }
0x6d: {  	_ =	shalt  }
0x6e: {  	_ =	shalt  }
0x6f: {  	_ =	shalt  }
0x70: {  	_ =	shalt  }
0x71: {  	_ =	shalt  }
0x72: {  	_ =	shalt  }
0x73: {  	_ =	shalt  }
0x74: {  	_ =	shalt  }
0x75: {  	_ =	shalt  }
0x76: {  	_ =	shalt  }
0x77: {  	_ =	shalt  }
0x78: {  	_ =	shalt  }
0x79: {  	_ =	shalt  }
0x7a: {  	_ =	shalt  }
0x7b: {  	_ =	shalt  }
0x7c: {  	_ =	shalt  }
0x7d: {  	_ =	shalt  }
0x7e: {  	_ =	shalt  }
0x7f: {  	_ =	shalt  }
0x80: {  	_ =	shalt  }
0x81: {  	_ =	shalt  }
0x82: {  	_ =	shalt  }
0x83: {  	_ =	shalt  }
0x84: {  	_ =	shalt  }
0x85: {  	_ =	shalt  }
0x86: {  	_ =	shalt  }
0x87: {  	_ =	shalt  }
.Lfunc_end0:
.L_simem_size_0:
called_computation_lowered:
.L_overlay_start_0:
0x88: {  	s2 =	sld [smem:$0x3FD9]  }
0x89: {  	s3 =	sld [smem:$0x3FFE];
	_ =	sdelay $0x1  }
0x8a: {  	s1 =	srdreg.scid  }
0x8b: {  	s0 =	sand.u32 $0x1, s1  }
0x8c: {  	s16 =	sshll.u32 s0, $0xA;
	s2 =	sadd.s32 s3, s2  }
0x8d: {  	s2 =	sadd.s32 s2, s16  }
0x8e: {  	[smem:$0x3FC5] =	sst s2  }
0x8f: {  	_ = 	snop  }
0x90: {  	(tm) =	ssettm $0x1  }
0x91: {  	s17 =	sld [smem:$0x3FFB];
	_ =	sdelay $0x3  }
0x92: {  	_ =	strace s17  }
0x93: {  	s2 =	sld [smem:$0x3FFC];
	_ =	sdelay $0x3  }
0x94: {  	_ =	strace s2  }
0x95: {  	s2 =	sld [smem:$0x3FFD];
	_ =	sdelay $0x3  }
0x96: {  	_ =	strace s2  }
0x97: {  	_ =	strace $0x8FFFFFFF  }
0x98: {  	s18 =	sld [smem:$0x3FDB];
	_ =	sdelay $0x1  }
0x99: {  	s19 =	simm.s32 $_scs_section_size  }
0x9a: {  	s4 =	simm.s32 $_size__tile_overlayer_lowered;
	s5 =	simm.s32 $_tile_overlayer_lowered  }
0x9b: {  	s22 =	simm.s32 $0x1BFF;
	s21 =	sshll.u32 s5, $0x1;
	s2 =	sadd.s32 s19, s18  }
0x9c: {  	s6 =	simm.s32 $0x0;
	s20 =	sshll.u32 s4, $0x1;
	s4 =	sadd.s32 s21, s2  }
0x9d: {  	[timem:s6], [sflag:s22] =	dma.local [hbm:s4], s20  }
0x9e: {  	_ =	swait.ge [sflag:s22], s20  }
0x9f: {  	s3 =	ssub.s32 $0x0, s20;
	[sflag:s22] =	ssyncset.done $0x0  }
0xa0: {  	[sflag:s22] =	ssyncadd.s32 s3;
	_ =	sdelay $0x1  }
0xa1: {  	s23 =	simm.s32 $0x1B8B  }
0xa2: {  	_ =	swait.ge [sflag:s23], $0x1  }
0xa3: {  	[sflag:s23] =	ssyncset.done $0x0  }
0xa4: {  	s25 =	simm.s32 $0x1B8E;
	s24 =	sld [smem:$0x3FFE];
	[sflag:s23] =	ssyncadd.s32 $0xFFFFFFFF  }
0xa5: {  	s26 =	simm.s32 $execute0_lowered;
	[smem:$0x3FD2] =	sst s25  }
0xa6: {  	s4 =	sshll.u32 s26, $0x1;
	_ =	strace $0x80000046;
	[dreg:$0x1] =	wrdreg $0xFFFFFFFF  }
0xa7: {  	s28 =	simm.s32 $_size_execute0_lowered;
	s2 =	sadd.s32 s2, s4;
	[dreg:$0x0] =	wrdreg $0x0  }
0xa8: {  	s4 =	sshll.u32 s28, $0x1;
	[dreg:$0x2] =	wrdreg s2  }
0xa9: {  	[dreg:$0x3] =	wrdreg s4  }
0xaa: {  	[dreg:$0x4] =	wrdreg $0xC0  }
0xab: {  	_ =	task [dreg:s6], $0x5FFFF  }
0xac: {  	[dreg:$0x1] =	wrdreg $0xFFFFFFFF  }
0xad: {  	[dreg:$0x0] =	wrdreg $0x60  }
0xae: {  	[dreg:$0x2] =	wrdreg s24  }
0xaf: {  	[dreg:$0x3] =	wrdreg $0x9  }
0xb0: {  	_ =	task.clear_ibuf [dreg:s6], $0x4FFFF;
	_ =	strace $0x90000046  }
0xb1: {  	s29 =	simm.s32 $0x9;
	_ =	strace $0x80000048  }
0xb2: {  	_ =	swait.ge [sflag:s29], $0x1  }
0xb3: {  	[sflag:s29] =	ssyncadd.s32 $0xFFFFFFFF  }
0xb4: {  	_ =	strace $0x90000048  }
0xb5: {  	_ =	sfence  }
0xb6: {  	s30 =	sld [smem:$0x0];
	_ =	sdelay $0x2  }
0xb7: {  	s31 =	sshll.u32 s1, $0xD;
	s1 =	sshrl.u32 s1, $0x2  }
0xb8: {  	s3 =	sand.u32 $0x4000, s31;
	s1 =	sadd.s32 s1, s30  }
0xb9: {  	s0 =	sor.u32 s3, s0;
	s1 =	sshll.u32 s1, $0x11  }
0xba: {  	s0 =	sor.u32 s1, s0  }
0xbb: {  	s0 =	sadd.s32 $0x8F2B, s0  }
0xbc: {  	[sflag:s0] =	ssyncadd.remote.s32 $0x1  }
0xbd: {  	_ =	sfence.sel $0xFFFF  }
0xbe: {  	[dreg:$0x0] =	wrdreg $0xFFFFFFFF;
	(pc) =	sbr.abs _section_cstart, $3  }
0xbf: {  	[dreg:$0x1] =	wrdreg $0xFFFFFFFF  }
0xc0: {  	_ =	task.clear_ibuf [dreg:s6], $0x2FFFF;
	_ =	strace $0x9FFFFFFF  }
0xc1: {  	(tm) =	ssettm $0x7FFFFFFF  }
tec
execute0_lowered:
.L_overlay_start_1:
0x0: {  	(tag) =	ssettag $0x1  }
0x1: {  	s1 =	srdreg.scid;
	s0 =	stileid.u32  }
0x2: {  	s3 =	rddreg [dreg:$0x0];
	s9 =	simm.s32 $0x400;
	s10 =	simm.s32 $0x2000  }
0x3: {  	s11 =	simm.s32 $0x2400;
	s4 =	sand.u32 $0x1, s1;
	s2 =	sshll.u32 s0, $0x1  }
0x4: {  	s12 =	simm.s32 $0x0;
	s1 =	rddreg [dreg:$0x1];
	s5 =	sor.u32 s4, s2  }
0x5: {  	s6 =	sshll.u32 s0, $0xB;
	s2 =	simm.s32 $0x0;
	s7 =	sshll.u32 s5, $0x7  }
0x6: {  	s4 =	ssub.s32 $0x2, s4;
	[smem:$0x7FF] =	sst s2;
	s6 =	sor.u32 s6, s7  }
0x7: {  	s5 =	sshll.u32 s5, $0xA;
	s8 =	sshrl.u32 s4, $0x1;
	s6 =	sand.u32 $0x6380, s6  }
0x8: {  	_ =	strace $0x80000047;
	s5 =	sadd.s32 s5, s3;
	s6 =	sshrl.u32 s6, $0x3  }
0x9: {  	s7 =	sadd.s32 s7, s3;
	s8 =	ssub.s32 s4, s8;
	s6 =	sadd.s32 s6, s3  }
0xa: {  	s3 =	sadd.s32 $0xC00, s5;
	s5 =	sadd.s32 $0x9C00, s7;
	s7 =	simm.s32 $0x1  }
0xb: {  	v0 =	vimm.s32 $0x0;
	v1 =	vimm.f32 $0.0e+00;
	v2 =	vimm.f32 $1.000000000e+00;
	s4 =	sadd.s32 $0x8C00, s6;
	s6 =	smax.u32 s8, $0x1;
	s8 =	simm.s32 $0x80  }
.LBB2_1:
0xc: {  	[tilespmem:s2], [sflag:$0x1] =	stream.linear.gather [hbm4b:s3+s2], $0x2000, $0x38;
	[tilespmem:$0x2800] =	vst v63  }
0xd: {  	_ =	swait.ge [sflag:s7], $0x2000  }
0xe: {  	s13 =	sand.u32 $0x70, s2;
	s14 =	sand.u32 $0x1C00, s2;
	[sflag:s7] =	ssyncset.done $0x0  }
0xf: {  	s13 =	sor.u32 s13, s14;
	[sflag:s7] =	ssyncadd.s32 $0xFFFFE000  }
0x10: {  	v3 =	vld [tilespmem:s13+$0x80]  }
0x11: {  	v4 =	vld [tilespmem:s13+$0x0];
	_ =	sdelay $0x1  }
0x12: {  	v5 =	vld [tilespmem:s13+$0x100];
	_ =	sdelay $0x1  }
0x13: {  	v6 =	vld [tilespmem:s13+$0x180]  }
0x14: {  	vm0 =	vgt.f32 v3, v4  }
0x15: {  	v7 =	vld [tilespmem:s13+$0x200];
	v3 =	vsel vm0, v3, v4  }
0x16: {  	vm1 =	vgt.f32 v5, v3  }
0x17: {  	v4 =	vld [tilespmem:s13+$0x280];
	v3 =	vsel vm1, v5, v3  }
0x18: {  	v5 =	vsel vm0, $0x1, v0;
	vm2 =	vgt.f32 v6, v3  }
0x19: {  	v5 =	vsel vm1, $0x2, v5;
	v3 =	vsel vm2, v6, v3  }
0x1a: {  	v8 =	vimm.f32 $0.0e+00;
	v5 =	vsel vm2, $0x3, v5;
	vm0 =	vgt.f32 v7, v3  }
0x1b: {  	v6 =	vimm.f32 $0.0e+00;
	v3 =	vsel vm0, v7, v3;
	v9 =	vsel vm0, $0x4, v5  }
0x1c: {  	s16 =	simm.s32 $0x10;
	v5 =	vimm.f32 $0.0e+00;
	v7 =	vimm.f32 $0.0e+00;
	vm1 =	vgt.f32 v4, v3  }
0x1d: {  	s15 =	simm.s32 $0x20;
	s14 =	simm.s32 $0x80;
	s13 =	simm.s32 $0x2000;
	v4 =	vimm.f32 $0.0e+00;
	v3 =	vimm.f32 $0.0e+00;
	vm1 =	vmneg vm1  }
.LBB2_2:
0x1e: {  	p0 =	sne.s32 s15, $0x3F0;
	s16 =	sand.u32 $0x70, s16;
	s17 =	sand.u32 $0x1C00, s14;
	v9 =	vnsel vm1, $0x5, v9;
	vm0 =	vmand vm0, vm1;
	v10 =	vsel vm1, $0x0, v2  }
0x1f: {  	s17 =	sor.u32 s16, s17;
	[tilespmem:s13+$0x0] =	vst v9;
	vm1 =	veq.s32 v9, $0x0;
	vm2 =	veq.s32 v9, $0x1;
	vm3 =	veq.s32 v9, $0x2;
	s16 =	smov.u32 s15  }
0x20: {  	v11 =	vld [tilespmem:s17+$0x80];
	v12 =	vsel vm1, $0x3F800000, v1;
	v13 =	vsel vm2, $0x3F800000, v1;
	vm1 =	veq.s32 v9, $0x3  }
0x21: {  	v16 =	vsel vm0, $0x3F800000, v1;
	v14 =	vsel vm3, $0x3F800000, v1;
	v9 =	vld [tilespmem:s17+$0x0];
	v15 =	vsel vm1, $0x3F800000, v1  }
0x22: {  	v8 =	vadd.f32 v12, v8;
	v5 =	vadd.f32 v13, v5  }
0x23: {  	v4 =	vadd.f32 v14, v4;
	v7 =	vadd.f32 v15, v7;
	v12 =	vld [tilespmem:s17+$0x100]  }
0x24: {  	v3 =	vadd.f32 v10, v3;
	v6 =	vadd.f32 v16, v6  }
0x25: {  	v10 =	vld [tilespmem:s17+$0x180]  }
0x26: {  	vm0 =	vgt.f32 v11, v9  }
0x27: {  	v13 =	vld [tilespmem:s17+$0x200];
	v9 =	vsel vm0, v11, v9  }
0x28: {  	vm1 =	vgt.f32 v12, v9  }
0x29: {  	v11 =	vld [tilespmem:s17+$0x280];
	v9 =	vsel vm1, v12, v9  }
0x2a: {  	vm2 =	vgt.f32 v10, v9  }
.Ltmp0:
0x2b: {  	v9 =	vsel vm2, v10, v9;
	(pc) =	sbr.rel @p0 .LBB2_2-.Ltmp0, $4  }
0x2c: {  	v10 =	vsel vm0, $0x1, v0;
	vm0 =	vgt.f32 v13, v9  }
0x2d: {  	v10 =	vsel vm1, $0x2, v10;
	v9 =	vsel vm0, v13, v9  }
0x2e: {  	v10 =	vsel vm2, $0x3, v10;
	vm1 =	vgt.f32 v11, v9  }
0x2f: {  	s14 =	sadd.s32 $0x80, s14;
	s15 =	sadd.s32 $0x10, s15;
	s13 =	sadd.s32 $0x10, s13;
	v9 =	vsel vm0, $0x4, v10;
	vm1 =	vmneg vm1  }
0x30: {  	s15 =	sand.u32 $0x70, s16;
	s14 =	sand.u32 $0x1C00, s14;
	v9 =	vnsel vm1, $0x5, v9  }
0x31: {  	s14 =	sor.u32 s15, s14;
	[tilespmem:s13+$0x0] =	vst v9  }
0x32: {  	v10 =	vld [tilespmem:s14+$0x80]  }
0x33: {  	v11 =	vld [tilespmem:s14+$0x0];
	_ =	sdelay $0x1  }
0x34: {  	v12 =	vld [tilespmem:s14+$0x100];
	_ =	sdelay $0x1  }
0x35: {  	vm0 =	vmand vm0, vm1;
	v13 =	vld [tilespmem:s14+$0x180]  }
0x36: {  	v54 =	vsel vm1, $0x0, v2;
	vm4 =	veq.s32 v9, $0x0;
	vm2 =	vgt.f32 v10, v11  }
0x37: {  	vm7 =	veq.s32 v9, $0x1;
	vm8 =	veq.s32 v9, $0x2;
	v14 =	vld [tilespmem:s14+$0x200];
	v10 =	vsel vm2, v10, v11  }
0x38: {  	vm10 =	veq.s32 v9, $0x3;
	v57 =	vsel vm0, $0x3F800000, v1;
	vm3 =	vgt.f32 v12, v10  }
0x39: {  	v3 =	vadd.f32 v54, v3;
	v51 =	vsel vm4, $0x3F800000, v1;
	v52 =	vld [tilespmem:s14+$0x280];
	v10 =	vsel vm3, v12, v10  }
0x3a: {  	v55 =	vsel vm7, $0x3F800000, v1;
	v56 =	vsel vm8, $0x3F800000, v1;
	vm15 =	vgt.f32 v13, v10  }
0x3b: {  	v9 =	vsel vm10, $0x3F800000, v1;
	v6 =	vadd.f32 v57, v6;
	v10 =	vsel vm15, v13, v10  }
0x3c: {  	v8 =	vadd.f32 v51, v8;
	v15 =	vsel vm2, $0x1, v0;
	vm6 =	vgt.f32 v14, v10  }
0x3d: {  	v5 =	vadd.f32 v55, v5;
	v53 =	vsel vm3, $0x2, v15;
	v10 =	vsel vm6, v14, v10  }
0x3e: {  	v4 =	vadd.f32 v56, v4;
	v11 =	vsel vm15, $0x3, v53;
	vm9 =	vgt.f32 v52, v10  }
0x3f: {  	v7 =	vadd.f32 v9, v7;
	v11 =	vsel vm6, $0x4, v11;
	vm1 =	vmneg vm9  }
0x40: {  	v11 =	vnsel vm1, $0x5, v11;
	vm15 =	vmand vm6, vm1;
	v63 =	vsel vm1, $0x0, v2  }
0x41: {  	s31 =	sadd.s32 $0x10, s13;
	vm11 =	veq.s32 v11, $0x0;
	v62 =	vsel vm15, $0x3F800000, v1;
	v3 =	vadd.f32 v63, v3  }
0x42: {  	vm12 =	veq.s32 v11, $0x1;
	[tilespmem:s31+$0x0] =	vst v11;
	v58 =	vsel vm11, $0x3F800000, v1;
	v6 =	vadd.f32 v62, v6  }
0x43: {  	vm13 =	veq.s32 v11, $0x2;
	v59 =	vsel vm12, $0x3F800000, v1;
	v8 =	vadd.f32 v58, v8;
	[tilespmem:$0x2680] =	vst v3  }
0x44: {  	vm14 =	veq.s32 v11, $0x3;
	v60 =	vsel vm13, $0x3F800000, v1;
	v5 =	vadd.f32 v59, v5;
	[tilespmem:$0x2600] =	vst v6  }
0x45: {  	v61 =	vsel vm14, $0x3F800000, v1;
	v4 =	vadd.f32 v60, v4;
	[tilespmem:$0x2400] =	vst v8  }
0x46: {  	v7 =	vadd.f32 v61, v7;
	[tilespmem:$0x2480] =	vst v5  }
0x47: {  	[tilespmem:$0x2500] =	vst v4  }
0x48: {  	[tilespmem:$0x2580] =	vst v7  }
0x49: {  	[hbm4b:s4+s8] =	stream.strided.scatter [tilespmem:s10], [sflag:$0x1], $0x400, s9, s8, $0x38;
	[tilespmem:$0x2800] =	vst v63  }
0x4a: {  	s12 =	sadd.s32 $0x1, s12;
	_ =	swait.ge [sflag:s7], $0x400  }
0x4b: {  	p0 =	sne.s32 s12, s6;
	[sflag:s7] =	ssyncset.done $0x0  }
.Ltmp1:
0x4c: {  	[sflag:s7] =	ssyncadd.s32 $0xFFFFFC00;
	(pc) =	sbr.rel @p0 .LBB2_1-.Ltmp1, $4  }
0x4d: {  	[hbm4b:s5+s2] =	stream.linear.scatter [tilespmem:s11], [sflag:$0x1], $0x300, $0x38;
	[tilespmem:$0x2800] =	vst v63  }
0x4e: {  	_ =	swait.ge [sflag:s7], $0x300  }
0x4f: {  	[sflag:s7] =	ssyncset.done $0x0  }
0x50: {  	[sflag:s7] =	ssyncadd.s32 $0xFFFFFD00  }
0x51: {  	_ =	sfence.sel $0x180000  }
0x52: {  	[bflag:$0x0] =	sbarrier.arrive $0xFFFF  }
0x53: {  	p0 =	sne.s32 s0, $0x0;
	_ =	strace $0x90000047  }
0x54: {  	s0 =	sadd.s32 @!p0 $0x100000, s1;
	[bflag:$0x2] =	sbarrier.arrive $0xFFFF  }
0x55: {  	[sflag:s0] =	ssyncadd.tile.s32 @!p0 $0x1;
	_ =	shalt  }
.Lfunc_end2:
_tile_overlayer_lowered:
.L_overlay_start_2:
0x56: {  	(tag) =	ssettag $0x2  }
0x57: {  	s0 =	rddreg [dreg:$0x0];
	s2 =	stileid.u32  }
0x58: {  	s1 =	rddreg [dreg:$0x1];
	p0 =	sne.s32 s2, $0x0  }
0x59: {  	s3 =	rddreg [dreg:$0x2];
	[bflag:$0x3] =	sbarrier.arrive $0xFFFF;
	s2 =	simm.s32 @!p0 $0x1C01  }
0x5a: {  	[timem:s3], [sflag:s2] =	dma.local @!p0 [hbm:s0], s1  }
0x5b: {  	s0 =	simm.s32 @!p0 $0x1  }
0x5c: {  	_ =	swait.ge @!p0 [sflag:s0], s1  }
0x5d: {  	s1 =	ssub.s32 @!p0 $0x0, s1;
	[sflag:s0] =	ssyncset.done @!p0 $0x0  }
0x5e: {  	[sflag:s0] =	ssyncadd.s32 @!p0 s1  }
0x5f: {  	[bflag:$0x3] =	sbarrier.arrive $0xFFFF  }
0x60: {  	_ =	shalt  }

</sc_bundles>
